<compile_context>
chip_gen: v7x
topology: tpu7x:2x2x1
jax: 0.10.2.dev20260603
libtpu: 0.0.44.dev20260713+nightly
codegen_flags: <defaults>
</compile_context>

<pallas_src>
import functools

import jax
import jax.numpy as jnp
from jax import lax
from jax.experimental import pallas as pl
from jax.experimental.pallas import tpu as pltpu
from jax.experimental.pallas import tpu_sc as plsc

B = 16384
D = 128
NW = 32
NSPLIT = 2
BS = B // NSPLIT
BPW = BS // NW
CHUNK = 128
NCH = BPW // CHUNK
BLK = 4096


def _sc_gather_body(split, uidx_hbm, ridx_hbm, utab_hbm, rtab_hbm,
                    uout_hbm, rout_hbm, uidx_v, ridx_v, urows, rrows,
                    gsem_u, gsem_r, wsem):
    wid = lax.axis_index("s") * 2 + lax.axis_index("c")
    base = split * BS + wid * BPW
    iu = pltpu.async_copy(uidx_hbm.at[pl.ds(base, BPW)], uidx_v, wsem)
    ir = pltpu.async_copy(ridx_hbm.at[pl.ds(base, BPW)], ridx_v, wsem)
    iu.wait()
    ir.wait()
    gu = [pltpu.async_copy(utab_hbm.at[uidx_v.at[pl.ds(ch * CHUNK, CHUNK)]],
                           urows.at[pl.ds(ch * CHUNK, CHUNK)], gsem_u)
          for ch in range(NCH)]
    gr = [pltpu.async_copy(rtab_hbm.at[ridx_v.at[pl.ds(ch * CHUNK, CHUNK)]],
                           rrows.at[pl.ds(ch * CHUNK, CHUNK)], gsem_r)
          for ch in range(NCH)]
    for c in gu:
        c.wait()
    wu = pltpu.async_copy(urows, uout_hbm.at[pl.ds(wid * BPW, BPW)], wsem)
    for c in gr:
        c.wait()
    wr = pltpu.async_copy(rrows, rout_hbm.at[pl.ds(wid * BPW, BPW)], wsem)
    wu.wait()
    wr.wait()


@functools.cache
def _sc_gather(split):
    return pl.kernel(
        functools.partial(_sc_gather_body, split),
        out_type=[jax.ShapeDtypeStruct((BS, D), jnp.float32),
                  jax.ShapeDtypeStruct((BS, D), jnp.float32)],
        mesh=plsc.VectorSubcoreMesh(core_axis_name="c", subcore_axis_name="s"),
        scratch_types=[
            pltpu.VMEM((BPW,), jnp.int32),
            pltpu.VMEM((BPW,), jnp.int32),
            pltpu.VMEM((BPW, D), jnp.float32),
            pltpu.VMEM((BPW, D), jnp.float32),
            pltpu.SemaphoreType.DMA,
            pltpu.SemaphoreType.DMA,
            pltpu.SemaphoreType.DMA,
        ],
    )


def _mlp_body(re_ref, ue_ref, w1_ref, b1_ref, w2_ref, b2_ref,
              w3_ref, b3_ref, *rest):
    out_ref = rest[-1]
    w1 = w1_ref[...].astype(jnp.bfloat16)
    reb = re_ref[...].astype(jnp.bfloat16)
    ueb = ue_ref[...].astype(jnp.bfloat16)
    r1 = jnp.dot(reb, w1[:D], preferred_element_type=jnp.float32)
    r1 += jnp.dot(ueb, w1[D:], preferred_element_type=jnp.float32)
    r1 = jnp.maximum(r1 + b1_ref[...], 0.0).astype(jnp.bfloat16)
    r2 = jnp.dot(r1, w2_ref[...].astype(jnp.bfloat16),
                 preferred_element_type=jnp.float32)
    r2 = jnp.maximum(r2 + b2_ref[...], 0.0)
    p = r2 * w3_ref[...]
    outs = []
    for c in range(BLK // 128):
        pc = p[c * 128:(c + 1) * 128, :]
        outs.append(jnp.sum(pc.T, axis=0, keepdims=True))
    out_ref[...] = jnp.concatenate(outs, axis=0) + b3_ref[...]


def _mlp(re, ue, w1, b1, w2, b2, w3, b3, s, prev=None):
    h1 = w1.shape[1]
    h2 = w2.shape[1]
    rpb = BLK // 128
    off = s * (BS // BLK)
    full = lambda shape: pl.BlockSpec(shape, lambda i: (0, 0))
    out_spec = pl.BlockSpec((rpb, 128), lambda i: (off + i, 0))
    in_specs = [
        pl.BlockSpec((BLK, D), lambda i: (i, 0)),
        pl.BlockSpec((BLK, D), lambda i: (i, 0)),
        full((2 * D, h1)), full((1, h1)),
        full((h1, h2)), full((1, h2)),
        full((1, h2)), full((1, 1)),
    ]
    args = [re, ue, w1, b1, w2, b2, w3, b3]
    kwargs = {}
    if prev is not None:
        in_specs.append(pl.BlockSpec((rpb, 128), lambda i: (off + i, 0)))
        args.append(prev)
        kwargs["input_output_aliases"] = {8: 0}
    return pl.pallas_call(
        _mlp_body,
        grid=(BS // BLK,),
        in_specs=in_specs,
        out_specs=out_spec,
        out_shape=jax.ShapeDtypeStruct((B // 128, 128), jnp.float32),
        **kwargs,
    )(*args)


def kernel(user, recipe, user_table, recipe_table, W1, b1, W2, b2, W3, b3):
    uidx = user.astype(jnp.int32)
    ridx = recipe.astype(jnp.int32)

    h1 = W1.shape[1]
    h2 = W2.shape[1]
    b1r = b1.reshape(1, h1)
    b2r = b2.reshape(1, h2)
    w3r = W3.reshape(1, h2)
    b3r = b3.reshape(1, 1)

    embs = [_sc_gather(s)(uidx, ridx, user_table, recipe_table)
            for s in range(NSPLIT)]
    out = None
    for s, (ue, re) in enumerate(embs):
        out = _mlp(re, ue, W1, b1r, W2, b2r, w3r, b3r, s, prev=out)
    return out.reshape(B)

# --- scband reference (transcript-rebuilt; emitter-appended) ---
"""Pipeline reference for scband-neural-cf-og-17532056502472 (READ-ONLY COPY).

The authoritative reference and input builder live on the scoring server;
editing this copy changes nothing except your own understanding.
"""

import jax, jax.numpy as jnp
import numpy as np

NUM_USERS = 100000
NUM_RECIPES = 100000
HSTATE = 128
BATCH = 16384

def setup_inputs(seed: int = 0) -> dict:
    key = jax.random.key(seed)
    ks = jax.random.split(key, 12)
    user = jax.random.randint(ks[0], (BATCH,), 0, NUM_USERS).astype(jnp.int64) if jax.config.jax_enable_x64 else jax.random.randint(ks[0], (BATCH,), 0, NUM_USERS)
    recipe = jax.random.randint(ks[1], (BATCH,), 0, NUM_RECIPES)
    user_table = jax.random.normal(ks[2], (NUM_USERS + 1, HSTATE), dtype=jnp.float32)
    recipe_table = jax.random.normal(ks[3], (NUM_RECIPES + 1, HSTATE), dtype=jnp.float32)
    # padding_idx=0 rows zeroed, as nn.Embedding(padding_idx=0) does
    user_table = user_table.at[0].set(0.0)
    recipe_table = recipe_table.at[0].set(0.0)
    W1 = jax.random.normal(ks[4], (HSTATE * 2, 100), dtype=jnp.float32) * (1.0 / np.sqrt(HSTATE * 2))
    b1 = jax.random.normal(ks[5], (100,), dtype=jnp.float32) * 0.01
    W2 = jax.random.normal(ks[6], (100, 50), dtype=jnp.float32) * (1.0 / np.sqrt(100))
    b2 = jax.random.normal(ks[7], (50,), dtype=jnp.float32) * 0.01
    W3 = jax.random.normal(ks[8], (50, 1), dtype=jnp.float32) * (1.0 / np.sqrt(50))
    b3 = jax.random.normal(ks[9], (1,), dtype=jnp.float32) * 0.01
    return {"user": user, "recipe": recipe, "user_table": user_table, "recipe_table": recipe_table,
            "W1": W1, "b1": b1, "W2": W2, "b2": b2, "W3": W3, "b3": b3}


def reference(user, recipe, user_table, recipe_table, W1, b1, W2, b2, W3, b3):
    recipe_emb = jnp.take(recipe_table, recipe, axis=0)
    user_emb = jnp.take(user_table, user, axis=0)
    feat_concat = jnp.concatenate((recipe_emb, user_emb), axis=1)
    r1 = feat_concat @ W1 + b1
    r1 = jax.nn.relu(r1)
    # dropout is identity in eval mode
    r1 = r1 @ W2 + b2
    r1 = jax.nn.relu(r1)
    r1 = r1 @ W3 + b3
    score = jnp.squeeze(r1)
    return score

if __name__ == "__main__":
    import jax
    _d = setup_inputs()
    print(jax.jit(kernel)(*tuple(_d.values())))

</pallas_src>

<mosaic_0001>
#map = affine_map<(d0, d1) -> (0)>
#map1 = affine_map<(d0, d1) -> (0, 0)>
module attributes {stable_mosaic.version = 14 : i64} {
  func.func @_sc_gather_body(%arg0: i32, %arg1: i32, %arg2: memref<16384xi32, #tpu.memory_space<hbm>>, %arg3: memref<16384xi32, #tpu.memory_space<hbm>>, %arg4: memref<100001x128xf32, #tpu.memory_space<hbm>>, %arg5: memref<100001x128xf32, #tpu.memory_space<hbm>>, %arg6: memref<8192x128xf32, #tpu.memory_space<hbm>>, %arg7: memref<8192x128xf32, #tpu.memory_space<hbm>>, %arg8: memref<256xi32, #tpu.memory_space<vmem>>, %arg9: memref<256xi32, #tpu.memory_space<vmem>>, %arg10: memref<256x128xf32, #tpu.memory_space<vmem>>, %arg11: memref<256x128xf32, #tpu.memory_space<vmem>>, %arg12: memref<!tpu.dma_semaphore, #tpu.memory_space<semaphore_mem>>, %arg13: memref<!tpu.dma_semaphore, #tpu.memory_space<semaphore_mem>>, %arg14: memref<!tpu.dma_semaphore, #tpu.memory_space<semaphore_mem>>) attributes {dimension_semantics = [#tpu.dimension_semantics<core_parallel>, #tpu.dimension_semantics<subcore_parallel>], iteration_bounds = array<i64: 2, 16>, scalar_prefetch = 0 : i64, scratch_operands = 7 : i64, tpu.core_type = #tpu.core_type<sc_vector_subcore>, window_params = [{transform_indices = #map}, {transform_indices = #map}, {transform_indices = #map1}, {transform_indices = #map1}, {transform_indices = #map1}, {transform_indices = #map1}]} {
    %mul3A = arith.constant 2 : i32
    %mul3A_0 = arith.muli %arg1, %mul3A : i32
    %add3A = arith.addi %mul3A_0, %arg0 : i32
    %mul3A_1 = arith.constant 256 : i32
    %mul3A_2 = arith.muli %add3A, %mul3A_1 : i32
    %add3A_3 = arith.constant 8192 : i32
    %add3A_4 = arith.addi %add3A_3, %mul3A_2 : i32
    %dma_start3A = tpu.memref_slice %arg2[%add3A_4] : memref<16384xi32, #tpu.memory_space<hbm>> -> memref<256xi32, #tpu.memory_space<hbm>>
    %dma_start3A_5 = tpu.memref_slice %arg2[%add3A_4] : memref<16384xi32, #tpu.memory_space<hbm>> -> memref<256xi32, #tpu.memory_space<hbm>>
    tpu.enqueue_dma source(%dma_start3A_5 : memref<256xi32, #tpu.memory_space<hbm>>) target(%arg8 : memref<256xi32, #tpu.memory_space<vmem>>) target_semaphore(%arg14 : memref<!tpu.dma_semaphore, #tpu.memory_space<semaphore_mem>>)
    %dma_start3A_6 = tpu.memref_slice %arg3[%add3A_4] : memref<16384xi32, #tpu.memory_space<hbm>> -> memref<256xi32, #tpu.memory_space<hbm>>
    %dma_start3A_7 = tpu.memref_slice %arg3[%add3A_4] : memref<16384xi32, #tpu.memory_space<hbm>> -> memref<256xi32, #tpu.memory_space<hbm>>
    tpu.enqueue_dma source(%dma_start3A_7 : memref<256xi32, #tpu.memory_space<hbm>>) target(%arg9 : memref<256xi32, #tpu.memory_space<vmem>>) target_semaphore(%arg14 : memref<!tpu.dma_semaphore, #tpu.memory_space<semaphore_mem>>)
    %dma_wait3A = tpu.memref_slice %arg2[%add3A_4] : memref<16384xi32, #tpu.memory_space<hbm>> -> memref<256xi32, #tpu.memory_space<hbm>>
    %dma_wait3A_8 = tpu.memref_slice %arg2[%add3A_4] : memref<16384xi32, #tpu.memory_space<hbm>> -> memref<256xi32, #tpu.memory_space<hbm>>
    tpu.wait_dma2 semaphore(%arg14 : memref<!tpu.dma_semaphore, #tpu.memory_space<semaphore_mem>>) src(%dma_wait3A_8 : memref<256xi32, #tpu.memory_space<hbm>>) dst(%arg8 : memref<256xi32, #tpu.memory_space<vmem>>)
    %dma_wait3A_9 = tpu.memref_slice %arg3[%add3A_4] : memref<16384xi32, #tpu.memory_space<hbm>> -> memref<256xi32, #tpu.memory_space<hbm>>
    %dma_wait3A_10 = tpu.memref_slice %arg3[%add3A_4] : memref<16384xi32, #tpu.memory_space<hbm>> -> memref<256xi32, #tpu.memory_space<hbm>>
    tpu.wait_dma2 semaphore(%arg14 : memref<!tpu.dma_semaphore, #tpu.memory_space<semaphore_mem>>) src(%dma_wait3A_10 : memref<256xi32, #tpu.memory_space<hbm>>) dst(%arg9 : memref<256xi32, #tpu.memory_space<vmem>>)
    %dma_start3A_11 = arith.constant 0 : i32
    %dma_start3A_12 = arith.constant 0 : i32
    %dma_start3A_13 = tpu.memref_slice %arg10[%dma_start3A_11, %dma_start3A_12] : memref<256x128xf32, #tpu.memory_space<vmem>> -> memref<128x128xf32, #tpu.memory_space<vmem>>
    %dma_start3A_14 = arith.constant 0 : i32
    %dma_start3A_15 = tpu.memref_slice %arg8[%dma_start3A_14] : memref<256xi32, #tpu.memory_space<vmem>> -> memref<128xi32, #tpu.memory_space<vmem>>
    %dma_start3A_16 = arith.constant 0 : i32
    %dma_start3A_17 = arith.constant 0 : i32
    %dma_start3A_18 = tpu.memref_slice %arg4[%dma_start3A_16, %dma_start3A_17] : memref<100001x128xf32, #tpu.memory_space<hbm>> -> memref<100001x128xf32, #tpu.memory_space<hbm>>
    tpu.enqueue_indirect_dma source(%dma_start3A_18 : memref<100001x128xf32, #tpu.memory_space<hbm>>) target(%dma_start3A_13 : memref<128x128xf32, #tpu.memory_space<vmem>>) offsets(%dma_start3A_15 : memref<128xi32, #tpu.memory_space<vmem>>) semaphore(%arg12 : memref<!tpu.dma_semaphore, #tpu.memory_space<semaphore_mem>>)
    %dma_start3A_19 = arith.constant 128 : i32
    %dma_start3A_20 = arith.constant 0 : i32
    %dma_start3A_21 = tpu.memref_slice %arg10[%dma_start3A_19, %dma_start3A_20] : memref<256x128xf32, #tpu.memory_space<vmem>> -> memref<128x128xf32, #tpu.memory_space<vmem>>
    %dma_start3A_22 = arith.constant 128 : i32
    %dma_start3A_23 = tpu.memref_slice %arg8[%dma_start3A_22] : memref<256xi32, #tpu.memory_space<vmem>> -> memref<128xi32, #tpu.memory_space<vmem>>
    %dma_start3A_24 = arith.constant 0 : i32
    %dma_start3A_25 = arith.constant 0 : i32
    %dma_start3A_26 = tpu.memref_slice %arg4[%dma_start3A_24, %dma_start3A_25] : memref<100001x128xf32, #tpu.memory_space<hbm>> -> memref<100001x128xf32, #tpu.memory_space<hbm>>
    tpu.enqueue_indirect_dma source(%dma_start3A_26 : memref<100001x128xf32, #tpu.memory_space<hbm>>) target(%dma_start3A_21 : memref<128x128xf32, #tpu.memory_space<vmem>>) offsets(%dma_start3A_23 : memref<128xi32, #tpu.memory_space<vmem>>) semaphore(%arg12 : memref<!tpu.dma_semaphore, #tpu.memory_space<semaphore_mem>>)
    %dma_start3A_27 = arith.constant 0 : i32
    %dma_start3A_28 = arith.constant 0 : i32
    %dma_start3A_29 = tpu.memref_slice %arg11[%dma_start3A_27, %dma_start3A_28] : memref<256x128xf32, #tpu.memory_space<vmem>> -> memref<128x128xf32, #tpu.memory_space<vmem>>
    %dma_start3A_30 = arith.constant 0 : i32
    %dma_start3A_31 = tpu.memref_slice %arg9[%dma_start3A_30] : memref<256xi32, #tpu.memory_space<vmem>> -> memref<128xi32, #tpu.memory_space<vmem>>
    %dma_start3A_32 = arith.constant 0 : i32
    %dma_start3A_33 = arith.constant 0 : i32
    %dma_start3A_34 = tpu.memref_slice %arg5[%dma_start3A_32, %dma_start3A_33] : memref<100001x128xf32, #tpu.memory_space<hbm>> -> memref<100001x128xf32, #tpu.memory_space<hbm>>
    tpu.enqueue_indirect_dma source(%dma_start3A_34 : memref<100001x128xf32, #tpu.memory_space<hbm>>) target(%dma_start3A_29 : memref<128x128xf32, #tpu.memory_space<vmem>>) offsets(%dma_start3A_31 : memref<128xi32, #tpu.memory_space<vmem>>) semaphore(%arg13 : memref<!tpu.dma_semaphore, #tpu.memory_space<semaphore_mem>>)
    %dma_start3A_35 = arith.constant 128 : i32
    %dma_start3A_36 = arith.constant 0 : i32
    %dma_start3A_37 = tpu.memref_slice %arg11[%dma_start3A_35, %dma_start3A_36] : memref<256x128xf32, #tpu.memory_space<vmem>> -> memref<128x128xf32, #tpu.memory_space<vmem>>
    %dma_start3A_38 = arith.constant 128 : i32
    %dma_start3A_39 = tpu.memref_slice %arg9[%dma_start3A_38] : memref<256xi32, #tpu.memory_space<vmem>> -> memref<128xi32, #tpu.memory_space<vmem>>
    %dma_start3A_40 = arith.constant 0 : i32
    %dma_start3A_41 = arith.constant 0 : i32
    %dma_start3A_42 = tpu.memref_slice %arg5[%dma_start3A_40, %dma_start3A_41] : memref<100001x128xf32, #tpu.memory_space<hbm>> -> memref<100001x128xf32, #tpu.memory_space<hbm>>
    tpu.enqueue_indirect_dma source(%dma_start3A_42 : memref<100001x128xf32, #tpu.memory_space<hbm>>) target(%dma_start3A_37 : memref<128x128xf32, #tpu.memory_space<vmem>>) offsets(%dma_start3A_39 : memref<128xi32, #tpu.memory_space<vmem>>) semaphore(%arg13 : memref<!tpu.dma_semaphore, #tpu.memory_space<semaphore_mem>>)
    %dma_wait3A_43 = arith.constant 0 : i32
    %dma_wait3A_44 = arith.constant 0 : i32
    %dma_wait3A_45 = tpu.memref_slice %arg10[%dma_wait3A_43, %dma_wait3A_44] : memref<256x128xf32, #tpu.memory_space<vmem>> -> memref<128x128xf32, #tpu.memory_space<vmem>>
    %dma_wait3A_46 = arith.constant 0 : i32
    %dma_wait3A_47 = tpu.memref_slice %arg8[%dma_wait3A_46] : memref<256xi32, #tpu.memory_space<vmem>> -> memref<128xi32, #tpu.memory_space<vmem>>
    %dma_wait3A_48 = arith.constant 0 : i32
    %dma_wait3A_49 = arith.constant 0 : i32
    %dma_wait3A_50 = tpu.memref_slice %arg4[%dma_wait3A_48, %dma_wait3A_49] : memref<100001x128xf32, #tpu.memory_space<hbm>> -> memref<100001x128xf32, #tpu.memory_space<hbm>>
    tpu.wait_indirect_dma semaphore(%arg12 : memref<!tpu.dma_semaphore, #tpu.memory_space<semaphore_mem>>) src(%dma_wait3A_50 : memref<100001x128xf32, #tpu.memory_space<hbm>>) dst(%dma_wait3A_45 : memref<128x128xf32, #tpu.memory_space<vmem>>)
    %dma_wait3A_51 = arith.constant 128 : i32
    %dma_wait3A_52 = arith.constant 0 : i32
    %dma_wait3A_53 = tpu.memref_slice %arg10[%dma_wait3A_51, %dma_wait3A_52] : memref<256x128xf32, #tpu.memory_space<vmem>> -> memref<128x128xf32, #tpu.memory_space<vmem>>
    %dma_wait3A_54 = arith.constant 128 : i32
    %dma_wait3A_55 = tpu.memref_slice %arg8[%dma_wait3A_54] : memref<256xi32, #tpu.memory_space<vmem>> -> memref<128xi32, #tpu.memory_space<vmem>>
    %dma_wait3A_56 = arith.constant 0 : i32
    %dma_wait3A_57 = arith.constant 0 : i32
    %dma_wait3A_58 = tpu.memref_slice %arg4[%dma_wait3A_56, %dma_wait3A_57] : memref<100001x128xf32, #tpu.memory_space<hbm>> -> memref<100001x128xf32, #tpu.memory_space<hbm>>
    tpu.wait_indirect_dma semaphore(%arg12 : memref<!tpu.dma_semaphore, #tpu.memory_space<semaphore_mem>>) src(%dma_wait3A_58 : memref<100001x128xf32, #tpu.memory_space<hbm>>) dst(%dma_wait3A_53 : memref<128x128xf32, #tpu.memory_space<vmem>>)
    %mul3A_59 = arith.constant 256 : i32
    %mul3A_60 = arith.muli %add3A, %mul3A_59 : i32
    %dma_start3A_61 = arith.constant 0 : i32
    %dma_start3A_62 = tpu.memref_slice %arg6[%mul3A_60, %dma_start3A_61] : memref<8192x128xf32, #tpu.memory_space<hbm>> -> memref<256x128xf32, #tpu.memory_space<hbm>>
    %dma_start3A_63 = arith.constant 0 : i32
    %dma_start3A_64 = tpu.memref_slice %arg6[%mul3A_60, %dma_start3A_63] : memref<8192x128xf32, #tpu.memory_space<hbm>> -> memref<256x128xf32, #tpu.memory_space<hbm>>
    tpu.enqueue_dma source(%arg10 : memref<256x128xf32, #tpu.memory_space<vmem>>) target(%dma_start3A_64 : memref<256x128xf32, #tpu.memory_space<hbm>>) target_semaphore(%arg14 : memref<!tpu.dma_semaphore, #tpu.memory_space<semaphore_mem>>)
    %dma_wait3A_65 = arith.constant 0 : i32
    %dma_wait3A_66 = arith.constant 0 : i32
    %dma_wait3A_67 = tpu.memref_slice %arg11[%dma_wait3A_65, %dma_wait3A_66] : memref<256x128xf32, #tpu.memory_space<vmem>> -> memref<128x128xf32, #tpu.memory_space<vmem>>
    %dma_wait3A_68 = arith.constant 0 : i32
    %dma_wait3A_69 = tpu.memref_slice %arg9[%dma_wait3A_68] : memref<256xi32, #tpu.memory_space<vmem>> -> memref<128xi32, #tpu.memory_space<vmem>>
    %dma_wait3A_70 = arith.constant 0 : i32
    %dma_wait3A_71 = arith.constant 0 : i32
    %dma_wait3A_72 = tpu.memref_slice %arg5[%dma_wait3A_70, %dma_wait3A_71] : memref<100001x128xf32, #tpu.memory_space<hbm>> -> memref<100001x128xf32, #tpu.memory_space<hbm>>
    tpu.wait_indirect_dma semaphore(%arg13 : memref<!tpu.dma_semaphore, #tpu.memory_space<semaphore_mem>>) src(%dma_wait3A_72 : memref<100001x128xf32, #tpu.memory_space<hbm>>) dst(%dma_wait3A_67 : memref<128x128xf32, #tpu.memory_space<vmem>>)
    %dma_wait3A_73 = arith.constant 128 : i32
    %dma_wait3A_74 = arith.constant 0 : i32
    %dma_wait3A_75 = tpu.memref_slice %arg11[%dma_wait3A_73, %dma_wait3A_74] : memref<256x128xf32, #tpu.memory_space<vmem>> -> memref<128x128xf32, #tpu.memory_space<vmem>>
    %dma_wait3A_76 = arith.constant 128 : i32
    %dma_wait3A_77 = tpu.memref_slice %arg9[%dma_wait3A_76] : memref<256xi32, #tpu.memory_space<vmem>> -> memref<128xi32, #tpu.memory_space<vmem>>
    %dma_wait3A_78 = arith.constant 0 : i32
    %dma_wait3A_79 = arith.constant 0 : i32
    %dma_wait3A_80 = tpu.memref_slice %arg5[%dma_wait3A_78, %dma_wait3A_79] : memref<100001x128xf32, #tpu.memory_space<hbm>> -> memref<100001x128xf32, #tpu.memory_space<hbm>>
    tpu.wait_indirect_dma semaphore(%arg13 : memref<!tpu.dma_semaphore, #tpu.memory_space<semaphore_mem>>) src(%dma_wait3A_80 : memref<100001x128xf32, #tpu.memory_space<hbm>>) dst(%dma_wait3A_75 : memref<128x128xf32, #tpu.memory_space<vmem>>)
    %mul3A_81 = arith.constant 256 : i32
    %mul3A_82 = arith.muli %add3A, %mul3A_81 : i32
    %dma_start3A_83 = arith.constant 0 : i32
    %dma_start3A_84 = tpu.memref_slice %arg7[%mul3A_82, %dma_start3A_83] : memref<8192x128xf32, #tpu.memory_space<hbm>> -> memref<256x128xf32, #tpu.memory_space<hbm>>
    %dma_start3A_85 = arith.constant 0 : i32
    %dma_start3A_86 = tpu.memref_slice %arg7[%mul3A_82, %dma_start3A_85] : memref<8192x128xf32, #tpu.memory_space<hbm>> -> memref<256x128xf32, #tpu.memory_space<hbm>>
    tpu.enqueue_dma source(%arg11 : memref<256x128xf32, #tpu.memory_space<vmem>>) target(%dma_start3A_86 : memref<256x128xf32, #tpu.memory_space<hbm>>) target_semaphore(%arg14 : memref<!tpu.dma_semaphore, #tpu.memory_space<semaphore_mem>>)
    %dma_wait3A_87 = arith.constant 0 : i32
    %dma_wait3A_88 = tpu.memref_slice %arg6[%mul3A_60, %dma_wait3A_87] : memref<8192x128xf32, #tpu.memory_space<hbm>> -> memref<256x128xf32, #tpu.memory_space<hbm>>
    %dma_wait3A_89 = arith.constant 0 : i32
    %dma_wait3A_90 = tpu.memref_slice %arg6[%mul3A_60, %dma_wait3A_89] : memref<8192x128xf32, #tpu.memory_space<hbm>> -> memref<256x128xf32, #tpu.memory_space<hbm>>
    tpu.wait_dma2 semaphore(%arg14 : memref<!tpu.dma_semaphore, #tpu.memory_space<semaphore_mem>>) src(%arg10 : memref<256x128xf32, #tpu.memory_space<vmem>>) dst(%dma_wait3A_90 : memref<256x128xf32, #tpu.memory_space<hbm>>)
    %dma_wait3A_91 = arith.constant 0 : i32
    %dma_wait3A_92 = tpu.memref_slice %arg7[%mul3A_82, %dma_wait3A_91] : memref<8192x128xf32, #tpu.memory_space<hbm>> -> memref<256x128xf32, #tpu.memory_space<hbm>>
    %dma_wait3A_93 = arith.constant 0 : i32
    %dma_wait3A_94 = tpu.memref_slice %arg7[%mul3A_82, %dma_wait3A_93] : memref<8192x128xf32, #tpu.memory_space<hbm>> -> memref<256x128xf32, #tpu.memory_space<hbm>>
    tpu.wait_dma2 semaphore(%arg14 : memref<!tpu.dma_semaphore, #tpu.memory_space<semaphore_mem>>) src(%arg11 : memref<256x128xf32, #tpu.memory_space<vmem>>) dst(%dma_wait3A_94 : memref<256x128xf32, #tpu.memory_space<hbm>>)
    return
  }
}

#map = affine_map<(d0, d1) -> (0)>
#map1 = affine_map<(d0, d1) -> (0, 0)>
module attributes {stable_mosaic.version = 14 : i64} {
  func.func @_sc_gather_body(%arg0: i32, %arg1: i32, %arg2: memref<16384xi32, #tpu.memory_space<hbm>>, %arg3: memref<16384xi32, #tpu.memory_space<hbm>>, %arg4: memref<100001x128xf32, #tpu.memory_space<hbm>>, %arg5: memref<100001x128xf32, #tpu.memory_space<hbm>>, %arg6: memref<8192x128xf32, #tpu.memory_space<hbm>>, %arg7: memref<8192x128xf32, #tpu.memory_space<hbm>>, %arg8: memref<256xi32, #tpu.memory_space<vmem>>, %arg9: memref<256xi32, #tpu.memory_space<vmem>>, %arg10: memref<256x128xf32, #tpu.memory_space<vmem>>, %arg11: memref<256x128xf32, #tpu.memory_space<vmem>>, %arg12: memref<!tpu.dma_semaphore, #tpu.memory_space<semaphore_mem>>, %arg13: memref<!tpu.dma_semaphore, #tpu.memory_space<semaphore_mem>>, %arg14: memref<!tpu.dma_semaphore, #tpu.memory_space<semaphore_mem>>) attributes {dimension_semantics = [#tpu.dimension_semantics<core_parallel>, #tpu.dimension_semantics<subcore_parallel>], iteration_bounds = array<i64: 2, 16>, scalar_prefetch = 0 : i64, scratch_operands = 7 : i64, tpu.core_type = #tpu.core_type<sc_vector_subcore>, window_params = [{transform_indices = #map}, {transform_indices = #map}, {transform_indices = #map1}, {transform_indices = #map1}, {transform_indices = #map1}, {transform_indices = #map1}]} {
    %mul3A = arith.constant 2 : i32
    %mul3A_0 = arith.muli %arg1, %mul3A : i32
    %add3A = arith.addi %mul3A_0, %arg0 : i32
    %mul3A_1 = arith.constant 256 : i32
    %mul3A_2 = arith.muli %add3A, %mul3A_1 : i32
    %add3A_3 = arith.constant 0 : i32
    %add3A_4 = arith.addi %add3A_3, %mul3A_2 : i32
    %dma_start3A = tpu.memref_slice %arg2[%add3A_4] : memref<16384xi32, #tpu.memory_space<hbm>> -> memref<256xi32, #tpu.memory_space<hbm>>
    %dma_start3A_5 = tpu.memref_slice %arg2[%add3A_4] : memref<16384xi32, #tpu.memory_space<hbm>> -> memref<256xi32, #tpu.memory_space<hbm>>
    tpu.enqueue_dma source(%dma_start3A_5 : memref<256xi32, #tpu.memory_space<hbm>>) target(%arg8 : memref<256xi32, #tpu.memory_space<vmem>>) target_semaphore(%arg14 : memref<!tpu.dma_semaphore, #tpu.memory_space<semaphore_mem>>)
    %dma_start3A_6 = tpu.memref_slice %arg3[%add3A_4] : memref<16384xi32, #tpu.memory_space<hbm>> -> memref<256xi32, #tpu.memory_space<hbm>>
    %dma_start3A_7 = tpu.memref_slice %arg3[%add3A_4] : memref<16384xi32, #tpu.memory_space<hbm>> -> memref<256xi32, #tpu.memory_space<hbm>>
    tpu.enqueue_dma source(%dma_start3A_7 : memref<256xi32, #tpu.memory_space<hbm>>) target(%arg9 : memref<256xi32, #tpu.memory_space<vmem>>) target_semaphore(%arg14 : memref<!tpu.dma_semaphore, #tpu.memory_space<semaphore_mem>>)
    %dma_wait3A = tpu.memref_slice %arg2[%add3A_4] : memref<16384xi32, #tpu.memory_space<hbm>> -> memref<256xi32, #tpu.memory_space<hbm>>
    %dma_wait3A_8 = tpu.memref_slice %arg2[%add3A_4] : memref<16384xi32, #tpu.memory_space<hbm>> -> memref<256xi32, #tpu.memory_space<hbm>>
    tpu.wait_dma2 semaphore(%arg14 : memref<!tpu.dma_semaphore, #tpu.memory_space<semaphore_mem>>) src(%dma_wait3A_8 : memref<256xi32, #tpu.memory_space<hbm>>) dst(%arg8 : memref<256xi32, #tpu.memory_space<vmem>>)
    %dma_wait3A_9 = tpu.memref_slice %arg3[%add3A_4] : memref<16384xi32, #tpu.memory_space<hbm>> -> memref<256xi32, #tpu.memory_space<hbm>>
    %dma_wait3A_10 = tpu.memref_slice %arg3[%add3A_4] : memref<16384xi32, #tpu.memory_space<hbm>> -> memref<256xi32, #tpu.memory_space<hbm>>
    tpu.wait_dma2 semaphore(%arg14 : memref<!tpu.dma_semaphore, #tpu.memory_space<semaphore_mem>>) src(%dma_wait3A_10 : memref<256xi32, #tpu.memory_space<hbm>>) dst(%arg9 : memref<256xi32, #tpu.memory_space<vmem>>)
    %dma_start3A_11 = arith.constant 0 : i32
    %dma_start3A_12 = arith.constant 0 : i32
    %dma_start3A_13 = tpu.memref_slice %arg10[%dma_start3A_11, %dma_start3A_12] : memref<256x128xf32, #tpu.memory_space<vmem>> -> memref<128x128xf32, #tpu.memory_space<vmem>>
    %dma_start3A_14 = arith.constant 0 : i32
    %dma_start3A_15 = tpu.memref_slice %arg8[%dma_start3A_14] : memref<256xi32, #tpu.memory_space<vmem>> -> memref<128xi32, #tpu.memory_space<vmem>>
    %dma_start3A_16 = arith.constant 0 : i32
    %dma_start3A_17 = arith.constant 0 : i32
    %dma_start3A_18 = tpu.memref_slice %arg4[%dma_start3A_16, %dma_start3A_17] : memref<100001x128xf32, #tpu.memory_space<hbm>> -> memref<100001x128xf32, #tpu.memory_space<hbm>>
    tpu.enqueue_indirect_dma source(%dma_start3A_18 : memref<100001x128xf32, #tpu.memory_space<hbm>>) target(%dma_start3A_13 : memref<128x128xf32, #tpu.memory_space<vmem>>) offsets(%dma_start3A_15 : memref<128xi32, #tpu.memory_space<vmem>>) semaphore(%arg12 : memref<!tpu.dma_semaphore, #tpu.memory_space<semaphore_mem>>)
    %dma_start3A_19 = arith.constant 128 : i32
    %dma_start3A_20 = arith.constant 0 : i32
    %dma_start3A_21 = tpu.memref_slice %arg10[%dma_start3A_19, %dma_start3A_20] : memref<256x128xf32, #tpu.memory_space<vmem>> -> memref<128x128xf32, #tpu.memory_space<vmem>>
    %dma_start3A_22 = arith.constant 128 : i32
    %dma_start3A_23 = tpu.memref_slice %arg8[%dma_start3A_22] : memref<256xi32, #tpu.memory_space<vmem>> -> memref<128xi32, #tpu.memory_space<vmem>>
    %dma_start3A_24 = arith.constant 0 : i32
    %dma_start3A_25 = arith.constant 0 : i32
    %dma_start3A_26 = tpu.memref_slice %arg4[%dma_start3A_24, %dma_start3A_25] : memref<100001x128xf32, #tpu.memory_space<hbm>> -> memref<100001x128xf32, #tpu.memory_space<hbm>>
    tpu.enqueue_indirect_dma source(%dma_start3A_26 : memref<100001x128xf32, #tpu.memory_space<hbm>>) target(%dma_start3A_21 : memref<128x128xf32, #tpu.memory_space<vmem>>) offsets(%dma_start3A_23 : memref<128xi32, #tpu.memory_space<vmem>>) semaphore(%arg12 : memref<!tpu.dma_semaphore, #tpu.memory_space<semaphore_mem>>)
    %dma_start3A_27 = arith.constant 0 : i32
    %dma_start3A_28 = arith.constant 0 : i32
    %dma_start3A_29 = tpu.memref_slice %arg11[%dma_start3A_27, %dma_start3A_28] : memref<256x128xf32, #tpu.memory_space<vmem>> -> memref<128x128xf32, #tpu.memory_space<vmem>>
    %dma_start3A_30 = arith.constant 0 : i32
    %dma_start3A_31 = tpu.memref_slice %arg9[%dma_start3A_30] : memref<256xi32, #tpu.memory_space<vmem>> -> memref<128xi32, #tpu.memory_space<vmem>>
    %dma_start3A_32 = arith.constant 0 : i32
    %dma_start3A_33 = arith.constant 0 : i32
    %dma_start3A_34 = tpu.memref_slice %arg5[%dma_start3A_32, %dma_start3A_33] : memref<100001x128xf32, #tpu.memory_space<hbm>> -> memref<100001x128xf32, #tpu.memory_space<hbm>>
    tpu.enqueue_indirect_dma source(%dma_start3A_34 : memref<100001x128xf32, #tpu.memory_space<hbm>>) target(%dma_start3A_29 : memref<128x128xf32, #tpu.memory_space<vmem>>) offsets(%dma_start3A_31 : memref<128xi32, #tpu.memory_space<vmem>>) semaphore(%arg13 : memref<!tpu.dma_semaphore, #tpu.memory_space<semaphore_mem>>)
    %dma_start3A_35 = arith.constant 128 : i32
    %dma_start3A_36 = arith.constant 0 : i32
    %dma_start3A_37 = tpu.memref_slice %arg11[%dma_start3A_35, %dma_start3A_36] : memref<256x128xf32, #tpu.memory_space<vmem>> -> memref<128x128xf32, #tpu.memory_space<vmem>>
    %dma_start3A_38 = arith.constant 128 : i32
    %dma_start3A_39 = tpu.memref_slice %arg9[%dma_start3A_38] : memref<256xi32, #tpu.memory_space<vmem>> -> memref<128xi32, #tpu.memory_space<vmem>>
    %dma_start3A_40 = arith.constant 0 : i32
    %dma_start3A_41 = arith.constant 0 : i32
    %dma_start3A_42 = tpu.memref_slice %arg5[%dma_start3A_40, %dma_start3A_41] : memref<100001x128xf32, #tpu.memory_space<hbm>> -> memref<100001x128xf32, #tpu.memory_space<hbm>>
    tpu.enqueue_indirect_dma source(%dma_start3A_42 : memref<100001x128xf32, #tpu.memory_space<hbm>>) target(%dma_start3A_37 : memref<128x128xf32, #tpu.memory_space<vmem>>) offsets(%dma_start3A_39 : memref<128xi32, #tpu.memory_space<vmem>>) semaphore(%arg13 : memref<!tpu.dma_semaphore, #tpu.memory_space<semaphore_mem>>)
    %dma_wait3A_43 = arith.constant 0 : i32
    %dma_wait3A_44 = arith.constant 0 : i32
    %dma_wait3A_45 = tpu.memref_slice %arg10[%dma_wait3A_43, %dma_wait3A_44] : memref<256x128xf32, #tpu.memory_space<vmem>> -> memref<128x128xf32, #tpu.memory_space<vmem>>
    %dma_wait3A_46 = arith.constant 0 : i32
    %dma_wait3A_47 = tpu.memref_slice %arg8[%dma_wait3A_46] : memref<256xi32, #tpu.memory_space<vmem>> -> memref<128xi32, #tpu.memory_space<vmem>>
    %dma_wait3A_48 = arith.constant 0 : i32
    %dma_wait3A_49 = arith.constant 0 : i32
    %dma_wait3A_50 = tpu.memref_slice %arg4[%dma_wait3A_48, %dma_wait3A_49] : memref<100001x128xf32, #tpu.memory_space<hbm>> -> memref<100001x128xf32, #tpu.memory_space<hbm>>
    tpu.wait_indirect_dma semaphore(%arg12 : memref<!tpu.dma_semaphore, #tpu.memory_space<semaphore_mem>>) src(%dma_wait3A_50 : memref<100001x128xf32, #tpu.memory_space<hbm>>) dst(%dma_wait3A_45 : memref<128x128xf32, #tpu.memory_space<vmem>>)
    %dma_wait3A_51 = arith.constant 128 : i32
    %dma_wait3A_52 = arith.constant 0 : i32
    %dma_wait3A_53 = tpu.memref_slice %arg10[%dma_wait3A_51, %dma_wait3A_52] : memref<256x128xf32, #tpu.memory_space<vmem>> -> memref<128x128xf32, #tpu.memory_space<vmem>>
    %dma_wait3A_54 = arith.constant 128 : i32
    %dma_wait3A_55 = tpu.memref_slice %arg8[%dma_wait3A_54] : memref<256xi32, #tpu.memory_space<vmem>> -> memref<128xi32, #tpu.memory_space<vmem>>
    %dma_wait3A_56 = arith.constant 0 : i32
    %dma_wait3A_57 = arith.constant 0 : i32
    %dma_wait3A_58 = tpu.memref_slice %arg4[%dma_wait3A_56, %dma_wait3A_57] : memref<100001x128xf32, #tpu.memory_space<hbm>> -> memref<100001x128xf32, #tpu.memory_space<hbm>>
    tpu.wait_indirect_dma semaphore(%arg12 : memref<!tpu.dma_semaphore, #tpu.memory_space<semaphore_mem>>) src(%dma_wait3A_58 : memref<100001x128xf32, #tpu.memory_space<hbm>>) dst(%dma_wait3A_53 : memref<128x128xf32, #tpu.memory_space<vmem>>)
    %mul3A_59 = arith.constant 256 : i32
    %mul3A_60 = arith.muli %add3A, %mul3A_59 : i32
    %dma_start3A_61 = arith.constant 0 : i32
    %dma_start3A_62 = tpu.memref_slice %arg6[%mul3A_60, %dma_start3A_61] : memref<8192x128xf32, #tpu.memory_space<hbm>> -> memref<256x128xf32, #tpu.memory_space<hbm>>
    %dma_start3A_63 = arith.constant 0 : i32
    %dma_start3A_64 = tpu.memref_slice %arg6[%mul3A_60, %dma_start3A_63] : memref<8192x128xf32, #tpu.memory_space<hbm>> -> memref<256x128xf32, #tpu.memory_space<hbm>>
    tpu.enqueue_dma source(%arg10 : memref<256x128xf32, #tpu.memory_space<vmem>>) target(%dma_start3A_64 : memref<256x128xf32, #tpu.memory_space<hbm>>) target_semaphore(%arg14 : memref<!tpu.dma_semaphore, #tpu.memory_space<semaphore_mem>>)
    %dma_wait3A_65 = arith.constant 0 : i32
    %dma_wait3A_66 = arith.constant 0 : i32
    %dma_wait3A_67 = tpu.memref_slice %arg11[%dma_wait3A_65, %dma_wait3A_66] : memref<256x128xf32, #tpu.memory_space<vmem>> -> memref<128x128xf32, #tpu.memory_space<vmem>>
    %dma_wait3A_68 = arith.constant 0 : i32
    %dma_wait3A_69 = tpu.memref_slice %arg9[%dma_wait3A_68] : memref<256xi32, #tpu.memory_space<vmem>> -> memref<128xi32, #tpu.memory_space<vmem>>
    %dma_wait3A_70 = arith.constant 0 : i32
    %dma_wait3A_71 = arith.constant 0 : i32
    %dma_wait3A_72 = tpu.memref_slice %arg5[%dma_wait3A_70, %dma_wait3A_71] : memref<100001x128xf32, #tpu.memory_space<hbm>> -> memref<100001x128xf32, #tpu.memory_space<hbm>>
    tpu.wait_indirect_dma semaphore(%arg13 : memref<!tpu.dma_semaphore, #tpu.memory_space<semaphore_mem>>) src(%dma_wait3A_72 : memref<100001x128xf32, #tpu.memory_space<hbm>>) dst(%dma_wait3A_67 : memref<128x128xf32, #tpu.memory_space<vmem>>)
    %dma_wait3A_73 = arith.constant 128 : i32
    %dma_wait3A_74 = arith.constant 0 : i32
    %dma_wait3A_75 = tpu.memref_slice %arg11[%dma_wait3A_73, %dma_wait3A_74] : memref<256x128xf32, #tpu.memory_space<vmem>> -> memref<128x128xf32, #tpu.memory_space<vmem>>
    %dma_wait3A_76 = arith.constant 128 : i32
    %dma_wait3A_77 = tpu.memref_slice %arg9[%dma_wait3A_76] : memref<256xi32, #tpu.memory_space<vmem>> -> memref<128xi32, #tpu.memory_space<vmem>>
    %dma_wait3A_78 = arith.constant 0 : i32
    %dma_wait3A_79 = arith.constant 0 : i32
    %dma_wait3A_80 = tpu.memref_slice %arg5[%dma_wait3A_78, %dma_wait3A_79] : memref<100001x128xf32, #tpu.memory_space<hbm>> -> memref<100001x128xf32, #tpu.memory_space<hbm>>
    tpu.wait_indirect_dma semaphore(%arg13 : memref<!tpu.dma_semaphore, #tpu.memory_space<semaphore_mem>>) src(%dma_wait3A_80 : memref<100001x128xf32, #tpu.memory_space<hbm>>) dst(%dma_wait3A_75 : memref<128x128xf32, #tpu.memory_space<vmem>>)
    %mul3A_81 = arith.constant 256 : i32
    %mul3A_82 = arith.muli %add3A, %mul3A_81 : i32
    %dma_start3A_83 = arith.constant 0 : i32
    %dma_start3A_84 = tpu.memref_slice %arg7[%mul3A_82, %dma_start3A_83] : memref<8192x128xf32, #tpu.memory_space<hbm>> -> memref<256x128xf32, #tpu.memory_space<hbm>>
    %dma_start3A_85 = arith.constant 0 : i32
    %dma_start3A_86 = tpu.memref_slice %arg7[%mul3A_82, %dma_start3A_85] : memref<8192x128xf32, #tpu.memory_space<hbm>> -> memref<256x128xf32, #tpu.memory_space<hbm>>
    tpu.enqueue_dma source(%arg11 : memref<256x128xf32, #tpu.memory_space<vmem>>) target(%dma_start3A_86 : memref<256x128xf32, #tpu.memory_space<hbm>>) target_semaphore(%arg14 : memref<!tpu.dma_semaphore, #tpu.memory_space<semaphore_mem>>)
    %dma_wait3A_87 = arith.constant 0 : i32
    %dma_wait3A_88 = tpu.memref_slice %arg6[%mul3A_60, %dma_wait3A_87] : memref<8192x128xf32, #tpu.memory_space<hbm>> -> memref<256x128xf32, #tpu.memory_space<hbm>>
    %dma_wait3A_89 = arith.constant 0 : i32
    %dma_wait3A_90 = tpu.memref_slice %arg6[%mul3A_60, %dma_wait3A_89] : memref<8192x128xf32, #tpu.memory_space<hbm>> -> memref<256x128xf32, #tpu.memory_space<hbm>>
    tpu.wait_dma2 semaphore(%arg14 : memref<!tpu.dma_semaphore, #tpu.memory_space<semaphore_mem>>) src(%arg10 : memref<256x128xf32, #tpu.memory_space<vmem>>) dst(%dma_wait3A_90 : memref<256x128xf32, #tpu.memory_space<hbm>>)
    %dma_wait3A_91 = arith.constant 0 : i32
    %dma_wait3A_92 = tpu.memref_slice %arg7[%mul3A_82, %dma_wait3A_91] : memref<8192x128xf32, #tpu.memory_space<hbm>> -> memref<256x128xf32, #tpu.memory_space<hbm>>
    %dma_wait3A_93 = arith.constant 0 : i32
    %dma_wait3A_94 = tpu.memref_slice %arg7[%mul3A_82, %dma_wait3A_93] : memref<8192x128xf32, #tpu.memory_space<hbm>> -> memref<256x128xf32, #tpu.memory_space<hbm>>
    tpu.wait_dma2 semaphore(%arg14 : memref<!tpu.dma_semaphore, #tpu.memory_space<semaphore_mem>>) src(%arg11 : memref<256x128xf32, #tpu.memory_space<vmem>>) dst(%dma_wait3A_94 : memref<256x128xf32, #tpu.memory_space<hbm>>)
    return
  }
}

module attributes {stable_mosaic.version = 14 : i64} {
  func.func @_mlp_body(%arg0: i32, %arg1: memref<4096x128xf32, #tpu.memory_space<vmem>>, %arg2: memref<4096x128xf32, #tpu.memory_space<vmem>>, %arg3: memref<256x100xf32, #tpu.memory_space<vmem>>, %arg4: memref<1x100xf32, #tpu.memory_space<vmem>>, %arg5: memref<100x50xf32, #tpu.memory_space<vmem>>, %arg6: memref<1x50xf32, #tpu.memory_space<vmem>>, %arg7: memref<1x50xf32, #tpu.memory_space<vmem>>, %arg8: memref<1x1xf32, #tpu.memory_space<vmem>>, %arg9: memref<32x128xf32, #tpu.memory_space<vmem>>, %arg10: memref<32x128xf32, #tpu.memory_space<vmem>>) attributes {dimension_semantics = [#tpu.dimension_semantics<arbitrary>], iteration_bounds = array<i64: 2>, scalar_prefetch = 0 : i64, scratch_operands = 0 : i64, tpu.core_type = #tpu.core_type<tc>, window_params = [{transform_indices = @transform_0, window_bounds = array<i64: 4096, 128>}, {transform_indices = @transform_1, window_bounds = array<i64: 4096, 128>}, {pipeline_mode = #tpu.pipeline_mode<synchronous>, transform_indices = @transform_2, window_bounds = array<i64: 256, 100>}, {pipeline_mode = #tpu.pipeline_mode<synchronous>, transform_indices = @transform_3, window_bounds = array<i64: 1, 100>}, {pipeline_mode = #tpu.pipeline_mode<synchronous>, transform_indices = @transform_4, window_bounds = array<i64: 100, 50>}, {pipeline_mode = #tpu.pipeline_mode<synchronous>, transform_indices = @transform_5, window_bounds = array<i64: 1, 50>}, {pipeline_mode = #tpu.pipeline_mode<synchronous>, transform_indices = @transform_6, window_bounds = array<i64: 1, 50>}, {pipeline_mode = #tpu.pipeline_mode<synchronous>, transform_indices = @transform_7, window_bounds = array<i64: 1, 1>}, {transform_indices = @transform_8, window_bounds = array<i64: 32, 128>}, {transform_indices = @transform_9, window_bounds = array<i64: 32, 128>}]} {
    %get3A = arith.constant 0 : index
    %get3A_0 = arith.constant 0 : index
    %get3A_1 = vector.load %arg3[%get3A, %get3A_0] : memref<256x100xf32, #tpu.memory_space<vmem>>, vector<256x100xf32>
    %convert_element_type3A = arith.truncf %get3A_1 : vector<256x100xf32> to vector<256x100xbf16>
    %get3A_2 = arith.constant 0 : index
    %get3A_3 = arith.constant 0 : index
    %get3A_4 = vector.load %arg1[%get3A_2, %get3A_3] : memref<4096x128xf32, #tpu.memory_space<vmem>>, vector<4096x128xf32>
    %convert_element_type3A_5 = arith.truncf %get3A_4 : vector<4096x128xf32> to vector<4096x128xbf16>
    %get3A_6 = arith.constant 0 : index
    %get3A_7 = arith.constant 0 : index
    %get3A_8 = vector.load %arg2[%get3A_6, %get3A_7] : memref<4096x128xf32, #tpu.memory_space<vmem>>, vector<4096x128xf32>
    %convert_element_type3A_9 = arith.truncf %get3A_8 : vector<4096x128xf32> to vector<4096x128xbf16>
    %slice3A = vector.extract_strided_slice %convert_element_type3A {offsets = [0, 0], sizes = [128, 100], strides = [1, 1]} : vector<256x100xbf16> to vector<128x100xbf16>
    %dot_general3A = arith.constant dense<0.000000e+00> : vector<4096x100xf32>
    %dot_general3A_10 = tpu.matmul %convert_element_type3A_5, %slice3A, %dot_general3A {dimension_numbers = #tpu.dot_dimension_numbers<[1], [0], [0], [1], [0, 0, 1, 1], [], []>, transpose_lhs_hint = false} : vector<4096x128xbf16>, vector<128x100xbf16>, vector<4096x100xf32> -> vector<4096x100xf32>
    %slice3A_11 = vector.extract_strided_slice %convert_element_type3A {offsets = [128, 0], sizes = [128, 100], strides = [1, 1]} : vector<256x100xbf16> to vector<128x100xbf16>
    %dot_general3A_12 = arith.constant dense<0.000000e+00> : vector<4096x100xf32>
    %dot_general3A_13 = tpu.matmul %convert_element_type3A_9, %slice3A_11, %dot_general3A_12 {dimension_numbers = #tpu.dot_dimension_numbers<[1], [0], [0], [1], [0, 0, 1, 1], [], []>, transpose_lhs_hint = false} : vector<4096x128xbf16>, vector<128x100xbf16>, vector<4096x100xf32> -> vector<4096x100xf32>
    %add3A = arith.addf %dot_general3A_10, %dot_general3A_13 : vector<4096x100xf32>
    %get3A_14 = arith.constant 0 : index
    %get3A_15 = arith.constant 0 : index
    %get3A_16 = vector.load %arg4[%get3A_14, %get3A_15] : memref<1x100xf32, #tpu.memory_space<vmem>>, vector<1x100xf32>
    %add3A_17 = vector.broadcast %get3A_16 : vector<1x100xf32> to vector<4096x100xf32>
    %add3A_18 = arith.addf %add3A, %add3A_17 : vector<4096x100xf32>
    %max3A = arith.constant 0.000000e+00 : f32
    %max3A_19 = vector.broadcast %max3A : f32 to vector<4096x100xf32>
    %max3A_20 = arith.maximumf %add3A_18, %max3A_19 : vector<4096x100xf32>
    %convert_element_type3A_21 = arith.truncf %max3A_20 : vector<4096x100xf32> to vector<4096x100xbf16>
    %get3A_22 = arith.constant 0 : index
    %get3A_23 = arith.constant 0 : index
    %get3A_24 = vector.load %arg5[%get3A_22, %get3A_23] : memref<100x50xf32, #tpu.memory_space<vmem>>, vector<100x50xf32>
    %convert_element_type3A_25 = arith.truncf %get3A_24 : vector<100x50xf32> to vector<100x50xbf16>
    %dot_general3A_26 = arith.constant dense<0.000000e+00> : vector<4096x50xf32>
    %dot_general3A_27 = tpu.matmul %convert_element_type3A_21, %convert_element_type3A_25, %dot_general3A_26 {dimension_numbers = #tpu.dot_dimension_numbers<[1], [0], [0], [1], [0, 0, 1, 1], [], []>, transpose_lhs_hint = false} : vector<4096x100xbf16>, vector<100x50xbf16>, vector<4096x50xf32> -> vector<4096x50xf32>
    %get3A_28 = arith.constant 0 : index
    %get3A_29 = arith.constant 0 : index
    %get3A_30 = vector.load %arg6[%get3A_28, %get3A_29] : memref<1x50xf32, #tpu.memory_space<vmem>>, vector<1x50xf32>
    %add3A_31 = vector.broadcast %get3A_30 : vector<1x50xf32> to vector<4096x50xf32>
    %add3A_32 = arith.addf %dot_general3A_27, %add3A_31 : vector<4096x50xf32>
    %max3A_33 = arith.constant 0.000000e+00 : f32
    %max3A_34 = vector.broadcast %max3A_33 : f32 to vector<4096x50xf32>
    %max3A_35 = arith.maximumf %add3A_32, %max3A_34 : vector<4096x50xf32>
    %get3A_36 = arith.constant 0 : index
    %get3A_37 = arith.constant 0 : index
    %get3A_38 = vector.load %arg7[%get3A_36, %get3A_37] : memref<1x50xf32, #tpu.memory_space<vmem>>, vector<1x50xf32>
    %mul3A = vector.broadcast %get3A_38 : vector<1x50xf32> to vector<4096x50xf32>
    %mul3A_39 = arith.mulf %max3A_35, %mul3A : vector<4096x50xf32>
    %slice3A_40 = vector.extract_strided_slice %mul3A_39 {offsets = [0, 0], sizes = [128, 50], strides = [1, 1]} : vector<4096x50xf32> to vector<128x50xf32>
    %transpose3A = tpu.transpose %slice3A_40, [1, 0] : vector<128x50xf32> -> vector<50x128xf32>
    %reduce_sum3A = arith.constant dense<0.000000e+00> : vector<128xf32>
    %reduce_sum3A_41 = vector.multi_reduction <add>, %transpose3A, %reduce_sum3A [0] : vector<50x128xf32> to vector<128xf32>
    %broadcast_in_dim3A = vector.shape_cast %reduce_sum3A_41 : vector<128xf32> to vector<1x128xf32>
    %slice3A_42 = vector.extract_strided_slice %mul3A_39 {offsets = [128, 0], sizes = [128, 50], strides = [1, 1]} : vector<4096x50xf32> to vector<128x50xf32>
    %transpose3A_43 = tpu.transpose %slice3A_42, [1, 0] : vector<128x50xf32> -> vector<50x128xf32>
    %reduce_sum3A_44 = arith.constant dense<0.000000e+00> : vector<128xf32>
    %reduce_sum3A_45 = vector.multi_reduction <add>, %transpose3A_43, %reduce_sum3A_44 [0] : vector<50x128xf32> to vector<128xf32>
    %broadcast_in_dim3A_46 = vector.shape_cast %reduce_sum3A_45 : vector<128xf32> to vector<1x128xf32>
    %slice3A_47 = vector.extract_strided_slice %mul3A_39 {offsets = [256, 0], sizes = [128, 50], strides = [1, 1]} : vector<4096x50xf32> to vector<128x50xf32>
    %transpose3A_48 = tpu.transpose %slice3A_47, [1, 0] : vector<128x50xf32> -> vector<50x128xf32>
    %reduce_sum3A_49 = arith.constant dense<0.000000e+00> : vector<128xf32>
    %reduce_sum3A_50 = vector.multi_reduction <add>, %transpose3A_48, %reduce_sum3A_49 [0] : vector<50x128xf32> to vector<128xf32>
    %broadcast_in_dim3A_51 = vector.shape_cast %reduce_sum3A_50 : vector<128xf32> to vector<1x128xf32>
    %slice3A_52 = vector.extract_strided_slice %mul3A_39 {offsets = [384, 0], sizes = [128, 50], strides = [1, 1]} : vector<4096x50xf32> to vector<128x50xf32>
    %transpose3A_53 = tpu.transpose %slice3A_52, [1, 0] : vector<128x50xf32> -> vector<50x128xf32>
    %reduce_sum3A_54 = arith.constant dense<0.000000e+00> : vector<128xf32>
    %reduce_sum3A_55 = vector.multi_reduction <add>, %transpose3A_53, %reduce_sum3A_54 [0] : vector<50x128xf32> to vector<128xf32>
    %broadcast_in_dim3A_56 = vector.shape_cast %reduce_sum3A_55 : vector<128xf32> to vector<1x128xf32>
    %slice3A_57 = vector.extract_strided_slice %mul3A_39 {offsets = [512, 0], sizes = [128, 50], strides = [1, 1]} : vector<4096x50xf32> to vector<128x50xf32>
    %transpose3A_58 = tpu.transpose %slice3A_57, [1, 0] : vector<128x50xf32> -> vector<50x128xf32>
    %reduce_sum3A_59 = arith.constant dense<0.000000e+00> : vector<128xf32>
    %reduce_sum3A_60 = vector.multi_reduction <add>, %transpose3A_58, %reduce_sum3A_59 [0] : vector<50x128xf32> to vector<128xf32>
    %broadcast_in_dim3A_61 = vector.shape_cast %reduce_sum3A_60 : vector<128xf32> to vector<1x128xf32>
    %slice3A_62 = vector.extract_strided_slice %mul3A_39 {offsets = [640, 0], sizes = [128, 50], strides = [1, 1]} : vector<4096x50xf32> to vector<128x50xf32>
    %transpose3A_63 = tpu.transpose %slice3A_62, [1, 0] : vector<128x50xf32> -> vector<50x128xf32>
    %reduce_sum3A_64 = arith.constant dense<0.000000e+00> : vector<128xf32>
    %reduce_sum3A_65 = vector.multi_reduction <add>, %transpose3A_63, %reduce_sum3A_64 [0] : vector<50x128xf32> to vector<128xf32>
    %broadcast_in_dim3A_66 = vector.shape_cast %reduce_sum3A_65 : vector<128xf32> to vector<1x128xf32>
    %slice3A_67 = vector.extract_strided_slice %mul3A_39 {offsets = [768, 0], sizes = [128, 50], strides = [1, 1]} : vector<4096x50xf32> to vector<128x50xf32>
    %transpose3A_68 = tpu.transpose %slice3A_67, [1, 0] : vector<128x50xf32> -> vector<50x128xf32>
    %reduce_sum3A_69 = arith.constant dense<0.000000e+00> : vector<128xf32>
    %reduce_sum3A_70 = vector.multi_reduction <add>, %transpose3A_68, %reduce_sum3A_69 [0] : vector<50x128xf32> to vector<128xf32>
    %broadcast_in_dim3A_71 = vector.shape_cast %reduce_sum3A_70 : vector<128xf32> to vector<1x128xf32>
    %slice3A_72 = vector.extract_strided_slice %mul3A_39 {offsets = [896, 0], sizes = [128, 50], strides = [1, 1]} : vector<4096x50xf32> to vector<128x50xf32>
    %transpose3A_73 = tpu.transpose %slice3A_72, [1, 0] : vector<128x50xf32> -> vector<50x128xf32>
    %reduce_sum3A_74 = arith.constant dense<0.000000e+00> : vector<128xf32>
    %reduce_sum3A_75 = vector.multi_reduction <add>, %transpose3A_73, %reduce_sum3A_74 [0] : vector<50x128xf32> to vector<128xf32>
    %broadcast_in_dim3A_76 = vector.shape_cast %reduce_sum3A_75 : vector<128xf32> to vector<1x128xf32>
    %slice3A_77 = vector.extract_strided_slice %mul3A_39 {offsets = [1024, 0], sizes = [128, 50], strides = [1, 1]} : vector<4096x50xf32> to vector<128x50xf32>
    %transpose3A_78 = tpu.transpose %slice3A_77, [1, 0] : vector<128x50xf32> -> vector<50x128xf32>
    %reduce_sum3A_79 = arith.constant dense<0.000000e+00> : vector<128xf32>
    %reduce_sum3A_80 = vector.multi_reduction <add>, %transpose3A_78, %reduce_sum3A_79 [0] : vector<50x128xf32> to vector<128xf32>
    %broadcast_in_dim3A_81 = vector.shape_cast %reduce_sum3A_80 : vector<128xf32> to vector<1x128xf32>
    %slice3A_82 = vector.extract_strided_slice %mul3A_39 {offsets = [1152, 0], sizes = [128, 50], strides = [1, 1]} : vector<4096x50xf32> to vector<128x50xf32>
    %transpose3A_83 = tpu.transpose %slice3A_82, [1, 0] : vector<128x50xf32> -> vector<50x128xf32>
    %reduce_sum3A_84 = arith.constant dense<0.000000e+00> : vector<128xf32>
    %reduce_sum3A_85 = vector.multi_reduction <add>, %transpose3A_83, %reduce_sum3A_84 [0] : vector<50x128xf32> to vector<128xf32>
    %broadcast_in_dim3A_86 = vector.shape_cast %reduce_sum3A_85 : vector<128xf32> to vector<1x128xf32>
    %slice3A_87 = vector.extract_strided_slice %mul3A_39 {offsets = [1280, 0], sizes = [128, 50], strides = [1, 1]} : vector<4096x50xf32> to vector<128x50xf32>
    %transpose3A_88 = tpu.transpose %slice3A_87, [1, 0] : vector<128x50xf32> -> vector<50x128xf32>
    %reduce_sum3A_89 = arith.constant dense<0.000000e+00> : vector<128xf32>
    %reduce_sum3A_90 = vector.multi_reduction <add>, %transpose3A_88, %reduce_sum3A_89 [0] : vector<50x128xf32> to vector<128xf32>
    %broadcast_in_dim3A_91 = vector.shape_cast %reduce_sum3A_90 : vector<128xf32> to vector<1x128xf32>
    %slice3A_92 = vector.extract_strided_slice %mul3A_39 {offsets = [1408, 0], sizes = [128, 50], strides = [1, 1]} : vector<4096x50xf32> to vector<128x50xf32>
    %transpose3A_93 = tpu.transpose %slice3A_92, [1, 0] : vector<128x50xf32> -> vector<50x128xf32>
    %reduce_sum3A_94 = arith.constant dense<0.000000e+00> : vector<128xf32>
    %reduce_sum3A_95 = vector.multi_reduction <add>, %transpose3A_93, %reduce_sum3A_94 [0] : vector<50x128xf32> to vector<128xf32>
    %broadcast_in_dim3A_96 = vector.shape_cast %reduce_sum3A_95 : vector<128xf32> to vector<1x128xf32>
    %slice3A_97 = vector.extract_strided_slice %mul3A_39 {offsets = [1536, 0], sizes = [128, 50], strides = [1, 1]} : vector<4096x50xf32> to vector<128x50xf32>
    %transpose3A_98 = tpu.transpose %slice3A_97, [1, 0] : vector<128x50xf32> -> vector<50x128xf32>
    %reduce_sum3A_99 = arith.constant dense<0.000000e+00> : vector<128xf32>
    %reduce_sum3A_100 = vector.multi_reduction <add>, %transpose3A_98, %reduce_sum3A_99 [0] : vector<50x128xf32> to vector<128xf32>
    %broadcast_in_dim3A_101 = vector.shape_cast %reduce_sum3A_100 : vector<128xf32> to vector<1x128xf32>
    %slice3A_102 = vector.extract_strided_slice %mul3A_39 {offsets = [1664, 0], sizes = [128, 50], strides = [1, 1]} : vector<4096x50xf32> to vector<128x50xf32>
    %transpose3A_103 = tpu.transpose %slice3A_102, [1, 0] : vector<128x50xf32> -> vector<50x128xf32>
    %reduce_sum3A_104 = arith.constant dense<0.000000e+00> : vector<128xf32>
    %reduce_sum3A_105 = vector.multi_reduction <add>, %transpose3A_103, %reduce_sum3A_104 [0] : vector<50x128xf32> to vector<128xf32>
    %broadcast_in_dim3A_106 = vector.shape_cast %reduce_sum3A_105 : vector<128xf32> to vector<1x128xf32>
    %slice3A_107 = vector.extract_strided_slice %mul3A_39 {offsets = [1792, 0], sizes = [128, 50], strides = [1, 1]} : vector<4096x50xf32> to vector<128x50xf32>
    %transpose3A_108 = tpu.transpose %slice3A_107, [1, 0] : vector<128x50xf32> -> vector<50x128xf32>
    %reduce_sum3A_109 = arith.constant dense<0.000000e+00> : vector<128xf32>
    %reduce_sum3A_110 = vector.multi_reduction <add>, %transpose3A_108, %reduce_sum3A_109 [0] : vector<50x128xf32> to vector<128xf32>
    %broadcast_in_dim3A_111 = vector.shape_cast %reduce_sum3A_110 : vector<128xf32> to vector<1x128xf32>
    %slice3A_112 = vector.extract_strided_slice %mul3A_39 {offsets = [1920, 0], sizes = [128, 50], strides = [1, 1]} : vector<4096x50xf32> to vector<128x50xf32>
    %transpose3A_113 = tpu.transpose %slice3A_112, [1, 0] : vector<128x50xf32> -> vector<50x128xf32>
    %reduce_sum3A_114 = arith.constant dense<0.000000e+00> : vector<128xf32>
    %reduce_sum3A_115 = vector.multi_reduction <add>, %transpose3A_113, %reduce_sum3A_114 [0] : vector<50x128xf32> to vector<128xf32>
    %broadcast_in_dim3A_116 = vector.shape_cast %reduce_sum3A_115 : vector<128xf32> to vector<1x128xf32>
    %slice3A_117 = vector.extract_strided_slice %mul3A_39 {offsets = [2048, 0], sizes = [128, 50], strides = [1, 1]} : vector<4096x50xf32> to vector<128x50xf32>
    %transpose3A_118 = tpu.transpose %slice3A_117, [1, 0] : vector<128x50xf32> -> vector<50x128xf32>
    %reduce_sum3A_119 = arith.constant dense<0.000000e+00> : vector<128xf32>
    %reduce_sum3A_120 = vector.multi_reduction <add>, %transpose3A_118, %reduce_sum3A_119 [0] : vector<50x128xf32> to vector<128xf32>
    %broadcast_in_dim3A_121 = vector.shape_cast %reduce_sum3A_120 : vector<128xf32> to vector<1x128xf32>
    %slice3A_122 = vector.extract_strided_slice %mul3A_39 {offsets = [2176, 0], sizes = [128, 50], strides = [1, 1]} : vector<4096x50xf32> to vector<128x50xf32>
    %transpose3A_123 = tpu.transpose %slice3A_122, [1, 0] : vector<128x50xf32> -> vector<50x128xf32>
    %reduce_sum3A_124 = arith.constant dense<0.000000e+00> : vector<128xf32>
    %reduce_sum3A_125 = vector.multi_reduction <add>, %transpose3A_123, %reduce_sum3A_124 [0] : vector<50x128xf32> to vector<128xf32>
    %broadcast_in_dim3A_126 = vector.shape_cast %reduce_sum3A_125 : vector<128xf32> to vector<1x128xf32>
    %slice3A_127 = vector.extract_strided_slice %mul3A_39 {offsets = [2304, 0], sizes = [128, 50], strides = [1, 1]} : vector<4096x50xf32> to vector<128x50xf32>
    %transpose3A_128 = tpu.transpose %slice3A_127, [1, 0] : vector<128x50xf32> -> vector<50x128xf32>
    %reduce_sum3A_129 = arith.constant dense<0.000000e+00> : vector<128xf32>
    %reduce_sum3A_130 = vector.multi_reduction <add>, %transpose3A_128, %reduce_sum3A_129 [0] : vector<50x128xf32> to vector<128xf32>
    %broadcast_in_dim3A_131 = vector.shape_cast %reduce_sum3A_130 : vector<128xf32> to vector<1x128xf32>
    %slice3A_132 = vector.extract_strided_slice %mul3A_39 {offsets = [2432, 0], sizes = [128, 50], strides = [1, 1]} : vector<4096x50xf32> to vector<128x50xf32>
    %transpose3A_133 = tpu.transpose %slice3A_132, [1, 0] : vector<128x50xf32> -> vector<50x128xf32>
    %reduce_sum3A_134 = arith.constant dense<0.000000e+00> : vector<128xf32>
    %reduce_sum3A_135 = vector.multi_reduction <add>, %transpose3A_133, %reduce_sum3A_134 [0] : vector<50x128xf32> to vector<128xf32>
    %broadcast_in_dim3A_136 = vector.shape_cast %reduce_sum3A_135 : vector<128xf32> to vector<1x128xf32>
    %slice3A_137 = vector.extract_strided_slice %mul3A_39 {offsets = [2560, 0], sizes = [128, 50], strides = [1, 1]} : vector<4096x50xf32> to vector<128x50xf32>
    %transpose3A_138 = tpu.transpose %slice3A_137, [1, 0] : vector<128x50xf32> -> vector<50x128xf32>
    %reduce_sum3A_139 = arith.constant dense<0.000000e+00> : vector<128xf32>
    %reduce_sum3A_140 = vector.multi_reduction <add>, %transpose3A_138, %reduce_sum3A_139 [0] : vector<50x128xf32> to vector<128xf32>
    %broadcast_in_dim3A_141 = vector.shape_cast %reduce_sum3A_140 : vector<128xf32> to vector<1x128xf32>
    %slice3A_142 = vector.extract_strided_slice %mul3A_39 {offsets = [2688, 0], sizes = [128, 50], strides = [1, 1]} : vector<4096x50xf32> to vector<128x50xf32>
    %transpose3A_143 = tpu.transpose %slice3A_142, [1, 0] : vector<128x50xf32> -> vector<50x128xf32>
    %reduce_sum3A_144 = arith.constant dense<0.000000e+00> : vector<128xf32>
    %reduce_sum3A_145 = vector.multi_reduction <add>, %transpose3A_143, %reduce_sum3A_144 [0] : vector<50x128xf32> to vector<128xf32>
    %broadcast_in_dim3A_146 = vector.shape_cast %reduce_sum3A_145 : vector<128xf32> to vector<1x128xf32>
    %slice3A_147 = vector.extract_strided_slice %mul3A_39 {offsets = [2816, 0], sizes = [128, 50], strides = [1, 1]} : vector<4096x50xf32> to vector<128x50xf32>
    %transpose3A_148 = tpu.transpose %slice3A_147, [1, 0] : vector<128x50xf32> -> vector<50x128xf32>
    %reduce_sum3A_149 = arith.constant dense<0.000000e+00> : vector<128xf32>
    %reduce_sum3A_150 = vector.multi_reduction <add>, %transpose3A_148, %reduce_sum3A_149 [0] : vector<50x128xf32> to vector<128xf32>
    %broadcast_in_dim3A_151 = vector.shape_cast %reduce_sum3A_150 : vector<128xf32> to vector<1x128xf32>
    %slice3A_152 = vector.extract_strided_slice %mul3A_39 {offsets = [2944, 0], sizes = [128, 50], strides = [1, 1]} : vector<4096x50xf32> to vector<128x50xf32>
    %transpose3A_153 = tpu.transpose %slice3A_152, [1, 0] : vector<128x50xf32> -> vector<50x128xf32>
    %reduce_sum3A_154 = arith.constant dense<0.000000e+00> : vector<128xf32>
    %reduce_sum3A_155 = vector.multi_reduction <add>, %transpose3A_153, %reduce_sum3A_154 [0] : vector<50x128xf32> to vector<128xf32>
    %broadcast_in_dim3A_156 = vector.shape_cast %reduce_sum3A_155 : vector<128xf32> to vector<1x128xf32>
    %slice3A_157 = vector.extract_strided_slice %mul3A_39 {offsets = [3072, 0], sizes = [128, 50], strides = [1, 1]} : vector<4096x50xf32> to vector<128x50xf32>
    %transpose3A_158 = tpu.transpose %slice3A_157, [1, 0] : vector<128x50xf32> -> vector<50x128xf32>
    %reduce_sum3A_159 = arith.constant dense<0.000000e+00> : vector<128xf32>
    %reduce_sum3A_160 = vector.multi_reduction <add>, %transpose3A_158, %reduce_sum3A_159 [0] : vector<50x128xf32> to vector<128xf32>
    %broadcast_in_dim3A_161 = vector.shape_cast %reduce_sum3A_160 : vector<128xf32> to vector<1x128xf32>
    %slice3A_162 = vector.extract_strided_slice %mul3A_39 {offsets = [3200, 0], sizes = [128, 50], strides = [1, 1]} : vector<4096x50xf32> to vector<128x50xf32>
    %transpose3A_163 = tpu.transpose %slice3A_162, [1, 0] : vector<128x50xf32> -> vector<50x128xf32>
    %reduce_sum3A_164 = arith.constant dense<0.000000e+00> : vector<128xf32>
    %reduce_sum3A_165 = vector.multi_reduction <add>, %transpose3A_163, %reduce_sum3A_164 [0] : vector<50x128xf32> to vector<128xf32>
    %broadcast_in_dim3A_166 = vector.shape_cast %reduce_sum3A_165 : vector<128xf32> to vector<1x128xf32>
    %slice3A_167 = vector.extract_strided_slice %mul3A_39 {offsets = [3328, 0], sizes = [128, 50], strides = [1, 1]} : vector<4096x50xf32> to vector<128x50xf32>
    %transpose3A_168 = tpu.transpose %slice3A_167, [1, 0] : vector<128x50xf32> -> vector<50x128xf32>
    %reduce_sum3A_169 = arith.constant dense<0.000000e+00> : vector<128xf32>
    %reduce_sum3A_170 = vector.multi_reduction <add>, %transpose3A_168, %reduce_sum3A_169 [0] : vector<50x128xf32> to vector<128xf32>
    %broadcast_in_dim3A_171 = vector.shape_cast %reduce_sum3A_170 : vector<128xf32> to vector<1x128xf32>
    %slice3A_172 = vector.extract_strided_slice %mul3A_39 {offsets = [3456, 0], sizes = [128, 50], strides = [1, 1]} : vector<4096x50xf32> to vector<128x50xf32>
    %transpose3A_173 = tpu.transpose %slice3A_172, [1, 0] : vector<128x50xf32> -> vector<50x128xf32>
    %reduce_sum3A_174 = arith.constant dense<0.000000e+00> : vector<128xf32>
    %reduce_sum3A_175 = vector.multi_reduction <add>, %transpose3A_173, %reduce_sum3A_174 [0] : vector<50x128xf32> to vector<128xf32>
    %broadcast_in_dim3A_176 = vector.shape_cast %reduce_sum3A_175 : vector<128xf32> to vector<1x128xf32>
    %slice3A_177 = vector.extract_strided_slice %mul3A_39 {offsets = [3584, 0], sizes = [128, 50], strides = [1, 1]} : vector<4096x50xf32> to vector<128x50xf32>
    %transpose3A_178 = tpu.transpose %slice3A_177, [1, 0] : vector<128x50xf32> -> vector<50x128xf32>
    %reduce_sum3A_179 = arith.constant dense<0.000000e+00> : vector<128xf32>
    %reduce_sum3A_180 = vector.multi_reduction <add>, %transpose3A_178, %reduce_sum3A_179 [0] : vector<50x128xf32> to vector<128xf32>
    %broadcast_in_dim3A_181 = vector.shape_cast %reduce_sum3A_180 : vector<128xf32> to vector<1x128xf32>
    %slice3A_182 = vector.extract_strided_slice %mul3A_39 {offsets = [3712, 0], sizes = [128, 50], strides = [1, 1]} : vector<4096x50xf32> to vector<128x50xf32>
    %transpose3A_183 = tpu.transpose %slice3A_182, [1, 0] : vector<128x50xf32> -> vector<50x128xf32>
    %reduce_sum3A_184 = arith.constant dense<0.000000e+00> : vector<128xf32>
    %reduce_sum3A_185 = vector.multi_reduction <add>, %transpose3A_183, %reduce_sum3A_184 [0] : vector<50x128xf32> to vector<128xf32>
    %broadcast_in_dim3A_186 = vector.shape_cast %reduce_sum3A_185 : vector<128xf32> to vector<1x128xf32>
    %slice3A_187 = vector.extract_strided_slice %mul3A_39 {offsets = [3840, 0], sizes = [128, 50], strides = [1, 1]} : vector<4096x50xf32> to vector<128x50xf32>
    %transpose3A_188 = tpu.transpose %slice3A_187, [1, 0] : vector<128x50xf32> -> vector<50x128xf32>
    %reduce_sum3A_189 = arith.constant dense<0.000000e+00> : vector<128xf32>
    %reduce_sum3A_190 = vector.multi_reduction <add>, %transpose3A_188, %reduce_sum3A_189 [0] : vector<50x128xf32> to vector<128xf32>
    %broadcast_in_dim3A_191 = vector.shape_cast %reduce_sum3A_190 : vector<128xf32> to vector<1x128xf32>
    %slice3A_192 = vector.extract_strided_slice %mul3A_39 {offsets = [3968, 0], sizes = [128, 50], strides = [1, 1]} : vector<4096x50xf32> to vector<128x50xf32>
    %transpose3A_193 = tpu.transpose %slice3A_192, [1, 0] : vector<128x50xf32> -> vector<50x128xf32>
    %reduce_sum3A_194 = arith.constant dense<0.000000e+00> : vector<128xf32>
    %reduce_sum3A_195 = vector.multi_reduction <add>, %transpose3A_193, %reduce_sum3A_194 [0] : vector<50x128xf32> to vector<128xf32>
    %broadcast_in_dim3A_196 = vector.shape_cast %reduce_sum3A_195 : vector<128xf32> to vector<1x128xf32>
    %concatenate3A = tpu.concatenate %broadcast_in_dim3A, %broadcast_in_dim3A_46, %broadcast_in_dim3A_51, %broadcast_in_dim3A_56, %broadcast_in_dim3A_61, %broadcast_in_dim3A_66, %broadcast_in_dim3A_71, %broadcast_in_dim3A_76, %broadcast_in_dim3A_81, %broadcast_in_dim3A_86, %broadcast_in_dim3A_91, %broadcast_in_dim3A_96, %broadcast_in_dim3A_101, %broadcast_in_dim3A_106, %broadcast_in_dim3A_111, %broadcast_in_dim3A_116, %broadcast_in_dim3A_121, %broadcast_in_dim3A_126, %broadcast_in_dim3A_131, %broadcast_in_dim3A_136, %broadcast_in_dim3A_141, %broadcast_in_dim3A_146, %broadcast_in_dim3A_151, %broadcast_in_dim3A_156, %broadcast_in_dim3A_161, %broadcast_in_dim3A_166, %broadcast_in_dim3A_171, %broadcast_in_dim3A_176, %broadcast_in_dim3A_181, %broadcast_in_dim3A_186, %broadcast_in_dim3A_191, %broadcast_in_dim3A_196 in 0 : vector<1x128xf32>, vector<1x128xf32>, vector<1x128xf32>, vector<1x128xf32>, vector<1x128xf32>, vector<1x128xf32>, vector<1x128xf32>, vector<1x128xf32>, vector<1x128xf32>, vector<1x128xf32>, vector<1x128xf32>, vector<1x128xf32>, vector<1x128xf32>, vector<1x128xf32>, vector<1x128xf32>, vector<1x128xf32>, vector<1x128xf32>, vector<1x128xf32>, vector<1x128xf32>, vector<1x128xf32>, vector<1x128xf32>, vector<1x128xf32>, vector<1x128xf32>, vector<1x128xf32>, vector<1x128xf32>, vector<1x128xf32>, vector<1x128xf32>, vector<1x128xf32>, vector<1x128xf32>, vector<1x128xf32>, vector<1x128xf32>, vector<1x128xf32> -> vector<32x128xf32>
    %get3A_197 = arith.constant 0 : index
    %get3A_198 = arith.constant 0 : index
    %get3A_199 = vector.load %arg8[%get3A_197, %get3A_198] : memref<1x1xf32, #tpu.memory_space<vmem>>, vector<1x1xf32>
    %add3A_200 = vector.broadcast %get3A_199 : vector<1x1xf32> to vector<32x128xf32>
    %add3A_201 = arith.addf %concatenate3A, %add3A_200 : vector<32x128xf32>
    %swap3A = arith.constant 0 : index
    %swap3A_202 = arith.constant 0 : index
    %swap3A_203 = vector.load %arg10[%swap3A, %swap3A_202] : memref<32x128xf32, #tpu.memory_space<vmem>>, vector<32x128xf32>
    tpu.vector_store %arg10[%swap3A, %swap3A_202], %add3A_201 {strides = array<i32>} : memref<32x128xf32, #tpu.memory_space<vmem>>, vector<32x128xf32>,
    return
  }
  func.func @transform_0(%arg0: i32) -> (i32, i32) {
    %c0_i32 = arith.constant 0 : i32
    %c0_i32_0 = arith.constant 0 : i32
    return %arg0, %c0_i32 : i32, i32
  }
  func.func @transform_1(%arg0: i32) -> (i32, i32) {
    %c0_i32 = arith.constant 0 : i32
    %c0_i32_0 = arith.constant 0 : i32
    return %arg0, %c0_i32 : i32, i32
  }
  func.func @transform_2(%arg0: i32) -> (i32, i32) {
    %c0_i32 = arith.constant 0 : i32
    %c0_i32_0 = arith.constant 0 : i32
    %c0_i32_1 = arith.constant 0 : i32
    return %c0_i32, %c0_i32_0 : i32, i32
  }
  func.func @transform_3(%arg0: i32) -> (i32, i32) {
    %c0_i32 = arith.constant 0 : i32
    %c0_i32_0 = arith.constant 0 : i32
    %c0_i32_1 = arith.constant 0 : i32
    return %c0_i32, %c0_i32_0 : i32, i32
  }
  func.func @transform_4(%arg0: i32) -> (i32, i32) {
    %c0_i32 = arith.constant 0 : i32
    %c0_i32_0 = arith.constant 0 : i32
    %c0_i32_1 = arith.constant 0 : i32
    return %c0_i32, %c0_i32_0 : i32, i32
  }
  func.func @transform_5(%arg0: i32) -> (i32, i32) {
    %c0_i32 = arith.constant 0 : i32
    %c0_i32_0 = arith.constant 0 : i32
    %c0_i32_1 = arith.constant 0 : i32
    return %c0_i32, %c0_i32_0 : i32, i32
  }
  func.func @transform_6(%arg0: i32) -> (i32, i32) {
    %c0_i32 = arith.constant 0 : i32
    %c0_i32_0 = arith.constant 0 : i32
    %c0_i32_1 = arith.constant 0 : i32
    return %c0_i32, %c0_i32_0 : i32, i32
  }
  func.func @transform_7(%arg0: i32) -> (i32, i32) {
    %c0_i32 = arith.constant 0 : i32
    %c0_i32_0 = arith.constant 0 : i32
    %c0_i32_1 = arith.constant 0 : i32
    return %c0_i32, %c0_i32_0 : i32, i32
  }
  func.func @transform_8(%arg0: i32) -> (i32, i32) {
    %add3A = arith.constant 2 : i32
    %add3A_0 = arith.addi %add3A, %arg0 : i32
    %c0_i32 = arith.constant 0 : i32
    %c0_i32_1 = arith.constant 0 : i32
    return %add3A_0, %c0_i32 : i32, i32
  }
  func.func @transform_9(%arg0: i32) -> (i32, i32) {
    %add3A = arith.constant 2 : i32
    %add3A_0 = arith.addi %add3A, %arg0 : i32
    %c0_i32 = arith.constant 0 : i32
    %c0_i32_1 = arith.constant 0 : i32
    return %add3A_0, %c0_i32 : i32, i32
  }
}

module attributes {stable_mosaic.version = 14 : i64} {
  func.func @_mlp_body(%arg0: i32, %arg1: memref<4096x128xf32, #tpu.memory_space<vmem>>, %arg2: memref<4096x128xf32, #tpu.memory_space<vmem>>, %arg3: memref<256x100xf32, #tpu.memory_space<vmem>>, %arg4: memref<1x100xf32, #tpu.memory_space<vmem>>, %arg5: memref<100x50xf32, #tpu.memory_space<vmem>>, %arg6: memref<1x50xf32, #tpu.memory_space<vmem>>, %arg7: memref<1x50xf32, #tpu.memory_space<vmem>>, %arg8: memref<1x1xf32, #tpu.memory_space<vmem>>, %arg9: memref<32x128xf32, #tpu.memory_space<vmem>>) attributes {dimension_semantics = [#tpu.dimension_semantics<arbitrary>], iteration_bounds = array<i64: 2>, scalar_prefetch = 0 : i64, scratch_operands = 0 : i64, tpu.core_type = #tpu.core_type<tc>, window_params = [{transform_indices = @transform_0, window_bounds = array<i64: 4096, 128>}, {transform_indices = @transform_1, window_bounds = array<i64: 4096, 128>}, {pipeline_mode = #tpu.pipeline_mode<synchronous>, transform_indices = @transform_2, window_bounds = array<i64: 256, 100>}, {pipeline_mode = #tpu.pipeline_mode<synchronous>, transform_indices = @transform_3, window_bounds = array<i64: 1, 100>}, {pipeline_mode = #tpu.pipeline_mode<synchronous>, transform_indices = @transform_4, window_bounds = array<i64: 100, 50>}, {pipeline_mode = #tpu.pipeline_mode<synchronous>, transform_indices = @transform_5, window_bounds = array<i64: 1, 50>}, {pipeline_mode = #tpu.pipeline_mode<synchronous>, transform_indices = @transform_6, window_bounds = array<i64: 1, 50>}, {pipeline_mode = #tpu.pipeline_mode<synchronous>, transform_indices = @transform_7, window_bounds = array<i64: 1, 1>}, {transform_indices = @transform_8, window_bounds = array<i64: 32, 128>}]} {
    %get3A = arith.constant 0 : index
    %get3A_0 = arith.constant 0 : index
    %get3A_1 = vector.load %arg3[%get3A, %get3A_0] : memref<256x100xf32, #tpu.memory_space<vmem>>, vector<256x100xf32>
    %convert_element_type3A = arith.truncf %get3A_1 : vector<256x100xf32> to vector<256x100xbf16>
    %get3A_2 = arith.constant 0 : index
    %get3A_3 = arith.constant 0 : index
    %get3A_4 = vector.load %arg1[%get3A_2, %get3A_3] : memref<4096x128xf32, #tpu.memory_space<vmem>>, vector<4096x128xf32>
    %convert_element_type3A_5 = arith.truncf %get3A_4 : vector<4096x128xf32> to vector<4096x128xbf16>
    %get3A_6 = arith.constant 0 : index
    %get3A_7 = arith.constant 0 : index
    %get3A_8 = vector.load %arg2[%get3A_6, %get3A_7] : memref<4096x128xf32, #tpu.memory_space<vmem>>, vector<4096x128xf32>
    %convert_element_type3A_9 = arith.truncf %get3A_8 : vector<4096x128xf32> to vector<4096x128xbf16>
    %slice3A = vector.extract_strided_slice %convert_element_type3A {offsets = [0, 0], sizes = [128, 100], strides = [1, 1]} : vector<256x100xbf16> to vector<128x100xbf16>
    %dot_general3A = arith.constant dense<0.000000e+00> : vector<4096x100xf32>
    %dot_general3A_10 = tpu.matmul %convert_element_type3A_5, %slice3A, %dot_general3A {dimension_numbers = #tpu.dot_dimension_numbers<[1], [0], [0], [1], [0, 0, 1, 1], [], []>, transpose_lhs_hint = false} : vector<4096x128xbf16>, vector<128x100xbf16>, vector<4096x100xf32> -> vector<4096x100xf32>
    %slice3A_11 = vector.extract_strided_slice %convert_element_type3A {offsets = [128, 0], sizes = [128, 100], strides = [1, 1]} : vector<256x100xbf16> to vector<128x100xbf16>
    %dot_general3A_12 = arith.constant dense<0.000000e+00> : vector<4096x100xf32>
    %dot_general3A_13 = tpu.matmul %convert_element_type3A_9, %slice3A_11, %dot_general3A_12 {dimension_numbers = #tpu.dot_dimension_numbers<[1], [0], [0], [1], [0, 0, 1, 1], [], []>, transpose_lhs_hint = false} : vector<4096x128xbf16>, vector<128x100xbf16>, vector<4096x100xf32> -> vector<4096x100xf32>
    %add3A = arith.addf %dot_general3A_10, %dot_general3A_13 : vector<4096x100xf32>
    %get3A_14 = arith.constant 0 : index
    %get3A_15 = arith.constant 0 : index
    %get3A_16 = vector.load %arg4[%get3A_14, %get3A_15] : memref<1x100xf32, #tpu.memory_space<vmem>>, vector<1x100xf32>
    %add3A_17 = vector.broadcast %get3A_16 : vector<1x100xf32> to vector<4096x100xf32>
    %add3A_18 = arith.addf %add3A, %add3A_17 : vector<4096x100xf32>
    %max3A = arith.constant 0.000000e+00 : f32
    %max3A_19 = vector.broadcast %max3A : f32 to vector<4096x100xf32>
    %max3A_20 = arith.maximumf %add3A_18, %max3A_19 : vector<4096x100xf32>
    %convert_element_type3A_21 = arith.truncf %max3A_20 : vector<4096x100xf32> to vector<4096x100xbf16>
    %get3A_22 = arith.constant 0 : index
    %get3A_23 = arith.constant 0 : index
    %get3A_24 = vector.load %arg5[%get3A_22, %get3A_23] : memref<100x50xf32, #tpu.memory_space<vmem>>, vector<100x50xf32>
    %convert_element_type3A_25 = arith.truncf %get3A_24 : vector<100x50xf32> to vector<100x50xbf16>
    %dot_general3A_26 = arith.constant dense<0.000000e+00> : vector<4096x50xf32>
    %dot_general3A_27 = tpu.matmul %convert_element_type3A_21, %convert_element_type3A_25, %dot_general3A_26 {dimension_numbers = #tpu.dot_dimension_numbers<[1], [0], [0], [1], [0, 0, 1, 1], [], []>, transpose_lhs_hint = false} : vector<4096x100xbf16>, vector<100x50xbf16>, vector<4096x50xf32> -> vector<4096x50xf32>
    %get3A_28 = arith.constant 0 : index
    %get3A_29 = arith.constant 0 : index
    %get3A_30 = vector.load %arg6[%get3A_28, %get3A_29] : memref<1x50xf32, #tpu.memory_space<vmem>>, vector<1x50xf32>
    %add3A_31 = vector.broadcast %get3A_30 : vector<1x50xf32> to vector<4096x50xf32>
    %add3A_32 = arith.addf %dot_general3A_27, %add3A_31 : vector<4096x50xf32>
    %max3A_33 = arith.constant 0.000000e+00 : f32
    %max3A_34 = vector.broadcast %max3A_33 : f32 to vector<4096x50xf32>
    %max3A_35 = arith.maximumf %add3A_32, %max3A_34 : vector<4096x50xf32>
    %get3A_36 = arith.constant 0 : index
    %get3A_37 = arith.constant 0 : index
    %get3A_38 = vector.load %arg7[%get3A_36, %get3A_37] : memref<1x50xf32, #tpu.memory_space<vmem>>, vector<1x50xf32>
    %mul3A = vector.broadcast %get3A_38 : vector<1x50xf32> to vector<4096x50xf32>
    %mul3A_39 = arith.mulf %max3A_35, %mul3A : vector<4096x50xf32>
    %slice3A_40 = vector.extract_strided_slice %mul3A_39 {offsets = [0, 0], sizes = [128, 50], strides = [1, 1]} : vector<4096x50xf32> to vector<128x50xf32>
    %transpose3A = tpu.transpose %slice3A_40, [1, 0] : vector<128x50xf32> -> vector<50x128xf32>
    %reduce_sum3A = arith.constant dense<0.000000e+00> : vector<128xf32>
    %reduce_sum3A_41 = vector.multi_reduction <add>, %transpose3A, %reduce_sum3A [0] : vector<50x128xf32> to vector<128xf32>
    %broadcast_in_dim3A = vector.shape_cast %reduce_sum3A_41 : vector<128xf32> to vector<1x128xf32>
    %slice3A_42 = vector.extract_strided_slice %mul3A_39 {offsets = [128, 0], sizes = [128, 50], strides = [1, 1]} : vector<4096x50xf32> to vector<128x50xf32>
    %transpose3A_43 = tpu.transpose %slice3A_42, [1, 0] : vector<128x50xf32> -> vector<50x128xf32>
    %reduce_sum3A_44 = arith.constant dense<0.000000e+00> : vector<128xf32>
    %reduce_sum3A_45 = vector.multi_reduction <add>, %transpose3A_43, %reduce_sum3A_44 [0] : vector<50x128xf32> to vector<128xf32>
    %broadcast_in_dim3A_46 = vector.shape_cast %reduce_sum3A_45 : vector<128xf32> to vector<1x128xf32>
    %slice3A_47 = vector.extract_strided_slice %mul3A_39 {offsets = [256, 0], sizes = [128, 50], strides = [1, 1]} : vector<4096x50xf32> to vector<128x50xf32>
    %transpose3A_48 = tpu.transpose %slice3A_47, [1, 0] : vector<128x50xf32> -> vector<50x128xf32>
    %reduce_sum3A_49 = arith.constant dense<0.000000e+00> : vector<128xf32>
    %reduce_sum3A_50 = vector.multi_reduction <add>, %transpose3A_48, %reduce_sum3A_49 [0] : vector<50x128xf32> to vector<128xf32>
    %broadcast_in_dim3A_51 = vector.shape_cast %reduce_sum3A_50 : vector<128xf32> to vector<1x128xf32>
    %slice3A_52 = vector.extract_strided_slice %mul3A_39 {offsets = [384, 0], sizes = [128, 50], strides = [1, 1]} : vector<4096x50xf32> to vector<128x50xf32>
    %transpose3A_53 = tpu.transpose %slice3A_52, [1, 0] : vector<128x50xf32> -> vector<50x128xf32>
    %reduce_sum3A_54 = arith.constant dense<0.000000e+00> : vector<128xf32>
    %reduce_sum3A_55 = vector.multi_reduction <add>, %transpose3A_53, %reduce_sum3A_54 [0] : vector<50x128xf32> to vector<128xf32>
    %broadcast_in_dim3A_56 = vector.shape_cast %reduce_sum3A_55 : vector<128xf32> to vector<1x128xf32>
    %slice3A_57 = vector.extract_strided_slice %mul3A_39 {offsets = [512, 0], sizes = [128, 50], strides = [1, 1]} : vector<4096x50xf32> to vector<128x50xf32>
    %transpose3A_58 = tpu.transpose %slice3A_57, [1, 0] : vector<128x50xf32> -> vector<50x128xf32>
    %reduce_sum3A_59 = arith.constant dense<0.000000e+00> : vector<128xf32>
    %reduce_sum3A_60 = vector.multi_reduction <add>, %transpose3A_58, %reduce_sum3A_59 [0] : vector<50x128xf32> to vector<128xf32>
    %broadcast_in_dim3A_61 = vector.shape_cast %reduce_sum3A_60 : vector<128xf32> to vector<1x128xf32>
    %slice3A_62 = vector.extract_strided_slice %mul3A_39 {offsets = [640, 0], sizes = [128, 50], strides = [1, 1]} : vector<4096x50xf32> to vector<128x50xf32>
    %transpose3A_63 = tpu.transpose %slice3A_62, [1, 0] : vector<128x50xf32> -> vector<50x128xf32>
    %reduce_sum3A_64 = arith.constant dense<0.000000e+00> : vector<128xf32>
    %reduce_sum3A_65 = vector.multi_reduction <add>, %transpose3A_63, %reduce_sum3A_64 [0] : vector<50x128xf32> to vector<128xf32>
    %broadcast_in_dim3A_66 = vector.shape_cast %reduce_sum3A_65 : vector<128xf32> to vector<1x128xf32>
    %slice3A_67 = vector.extract_strided_slice %mul3A_39 {offsets = [768, 0], sizes = [128, 50], strides = [1, 1]} : vector<4096x50xf32> to vector<128x50xf32>
    %transpose3A_68 = tpu.transpose %slice3A_67, [1, 0] : vector<128x50xf32> -> vector<50x128xf32>
    %reduce_sum3A_69 = arith.constant dense<0.000000e+00> : vector<128xf32>
    %reduce_sum3A_70 = vector.multi_reduction <add>, %transpose3A_68, %reduce_sum3A_69 [0] : vector<50x128xf32> to vector<128xf32>
    %broadcast_in_dim3A_71 = vector.shape_cast %reduce_sum3A_70 : vector<128xf32> to vector<1x128xf32>
    %slice3A_72 = vector.extract_strided_slice %mul3A_39 {offsets = [896, 0], sizes = [128, 50], strides = [1, 1]} : vector<4096x50xf32> to vector<128x50xf32>
    %transpose3A_73 = tpu.transpose %slice3A_72, [1, 0] : vector<128x50xf32> -> vector<50x128xf32>
    %reduce_sum3A_74 = arith.constant dense<0.000000e+00> : vector<128xf32>
    %reduce_sum3A_75 = vector.multi_reduction <add>, %transpose3A_73, %reduce_sum3A_74 [0] : vector<50x128xf32> to vector<128xf32>
    %broadcast_in_dim3A_76 = vector.shape_cast %reduce_sum3A_75 : vector<128xf32> to vector<1x128xf32>
    %slice3A_77 = vector.extract_strided_slice %mul3A_39 {offsets = [1024, 0], sizes = [128, 50], strides = [1, 1]} : vector<4096x50xf32> to vector<128x50xf32>
    %transpose3A_78 = tpu.transpose %slice3A_77, [1, 0] : vector<128x50xf32> -> vector<50x128xf32>
    %reduce_sum3A_79 = arith.constant dense<0.000000e+00> : vector<128xf32>
    %reduce_sum3A_80 = vector.multi_reduction <add>, %transpose3A_78, %reduce_sum3A_79 [0] : vector<50x128xf32> to vector<128xf32>
    %broadcast_in_dim3A_81 = vector.shape_cast %reduce_sum3A_80 : vector<128xf32> to vector<1x128xf32>
    %slice3A_82 = vector.extract_strided_slice %mul3A_39 {offsets = [1152, 0], sizes = [128, 50], strides = [1, 1]} : vector<4096x50xf32> to vector<128x50xf32>
    %transpose3A_83 = tpu.transpose %slice3A_82, [1, 0] : vector<128x50xf32> -> vector<50x128xf32>
    %reduce_sum3A_84 = arith.constant dense<0.000000e+00> : vector<128xf32>
    %reduce_sum3A_85 = vector.multi_reduction <add>, %transpose3A_83, %reduce_sum3A_84 [0] : vector<50x128xf32> to vector<128xf32>
    %broadcast_in_dim3A_86 = vector.shape_cast %reduce_sum3A_85 : vector<128xf32> to vector<1x128xf32>
    %slice3A_87 = vector.extract_strided_slice %mul3A_39 {offsets = [1280, 0], sizes = [128, 50], strides = [1, 1]} : vector<4096x50xf32> to vector<128x50xf32>
    %transpose3A_88 = tpu.transpose %slice3A_87, [1, 0] : vector<128x50xf32> -> vector<50x128xf32>
    %reduce_sum3A_89 = arith.constant dense<0.000000e+00> : vector<128xf32>
    %reduce_sum3A_90 = vector.multi_reduction <add>, %transpose3A_88, %reduce_sum3A_89 [0] : vector<50x128xf32> to vector<128xf32>
    %broadcast_in_dim3A_91 = vector.shape_cast %reduce_sum3A_90 : vector<128xf32> to vector<1x128xf32>
    %slice3A_92 = vector.extract_strided_slice %mul3A_39 {offsets = [1408, 0], sizes = [128, 50], strides = [1, 1]} : vector<4096x50xf32> to vector<128x50xf32>
    %transpose3A_93 = tpu.transpose %slice3A_92, [1, 0] : vector<128x50xf32> -> vector<50x128xf32>
    %reduce_sum3A_94 = arith.constant dense<0.000000e+00> : vector<128xf32>
    %reduce_sum3A_95 = vector.multi_reduction <add>, %transpose3A_93, %reduce_sum3A_94 [0] : vector<50x128xf32> to vector<128xf32>
    %broadcast_in_dim3A_96 = vector.shape_cast %reduce_sum3A_95 : vector<128xf32> to vector<1x128xf32>
    %slice3A_97 = vector.extract_strided_slice %mul3A_39 {offsets = [1536, 0], sizes = [128, 50], strides = [1, 1]} : vector<4096x50xf32> to vector<128x50xf32>
    %transpose3A_98 = tpu.transpose %slice3A_97, [1, 0] : vector<128x50xf32> -> vector<50x128xf32>
    %reduce_sum3A_99 = arith.constant dense<0.000000e+00> : vector<128xf32>
    %reduce_sum3A_100 = vector.multi_reduction <add>, %transpose3A_98, %reduce_sum3A_99 [0] : vector<50x128xf32> to vector<128xf32>
    %broadcast_in_dim3A_101 = vector.shape_cast %reduce_sum3A_100 : vector<128xf32> to vector<1x128xf32>
    %slice3A_102 = vector.extract_strided_slice %mul3A_39 {offsets = [1664, 0], sizes = [128, 50], strides = [1, 1]} : vector<4096x50xf32> to vector<128x50xf32>
    %transpose3A_103 = tpu.transpose %slice3A_102, [1, 0] : vector<128x50xf32> -> vector<50x128xf32>
    %reduce_sum3A_104 = arith.constant dense<0.000000e+00> : vector<128xf32>
    %reduce_sum3A_105 = vector.multi_reduction <add>, %transpose3A_103, %reduce_sum3A_104 [0] : vector<50x128xf32> to vector<128xf32>
    %broadcast_in_dim3A_106 = vector.shape_cast %reduce_sum3A_105 : vector<128xf32> to vector<1x128xf32>
    %slice3A_107 = vector.extract_strided_slice %mul3A_39 {offsets = [1792, 0], sizes = [128, 50], strides = [1, 1]} : vector<4096x50xf32> to vector<128x50xf32>
    %transpose3A_108 = tpu.transpose %slice3A_107, [1, 0] : vector<128x50xf32> -> vector<50x128xf32>
    %reduce_sum3A_109 = arith.constant dense<0.000000e+00> : vector<128xf32>
    %reduce_sum3A_110 = vector.multi_reduction <add>, %transpose3A_108, %reduce_sum3A_109 [0] : vector<50x128xf32> to vector<128xf32>
    %broadcast_in_dim3A_111 = vector.shape_cast %reduce_sum3A_110 : vector<128xf32> to vector<1x128xf32>
    %slice3A_112 = vector.extract_strided_slice %mul3A_39 {offsets = [1920, 0], sizes = [128, 50], strides = [1, 1]} : vector<4096x50xf32> to vector<128x50xf32>
    %transpose3A_113 = tpu.transpose %slice3A_112, [1, 0] : vector<128x50xf32> -> vector<50x128xf32>
    %reduce_sum3A_114 = arith.constant dense<0.000000e+00> : vector<128xf32>
    %reduce_sum3A_115 = vector.multi_reduction <add>, %transpose3A_113, %reduce_sum3A_114 [0] : vector<50x128xf32> to vector<128xf32>
    %broadcast_in_dim3A_116 = vector.shape_cast %reduce_sum3A_115 : vector<128xf32> to vector<1x128xf32>
    %slice3A_117 = vector.extract_strided_slice %mul3A_39 {offsets = [2048, 0], sizes = [128, 50], strides = [1, 1]} : vector<4096x50xf32> to vector<128x50xf32>
    %transpose3A_118 = tpu.transpose %slice3A_117, [1, 0] : vector<128x50xf32> -> vector<50x128xf32>
    %reduce_sum3A_119 = arith.constant dense<0.000000e+00> : vector<128xf32>
    %reduce_sum3A_120 = vector.multi_reduction <add>, %transpose3A_118, %reduce_sum3A_119 [0] : vector<50x128xf32> to vector<128xf32>
    %broadcast_in_dim3A_121 = vector.shape_cast %reduce_sum3A_120 : vector<128xf32> to vector<1x128xf32>
    %slice3A_122 = vector.extract_strided_slice %mul3A_39 {offsets = [2176, 0], sizes = [128, 50], strides = [1, 1]} : vector<4096x50xf32> to vector<128x50xf32>
    %transpose3A_123 = tpu.transpose %slice3A_122, [1, 0] : vector<128x50xf32> -> vector<50x128xf32>
    %reduce_sum3A_124 = arith.constant dense<0.000000e+00> : vector<128xf32>
    %reduce_sum3A_125 = vector.multi_reduction <add>, %transpose3A_123, %reduce_sum3A_124 [0] : vector<50x128xf32> to vector<128xf32>
    %broadcast_in_dim3A_126 = vector.shape_cast %reduce_sum3A_125 : vector<128xf32> to vector<1x128xf32>
    %slice3A_127 = vector.extract_strided_slice %mul3A_39 {offsets = [2304, 0], sizes = [128, 50], strides = [1, 1]} : vector<4096x50xf32> to vector<128x50xf32>
    %transpose3A_128 = tpu.transpose %slice3A_127, [1, 0] : vector<128x50xf32> -> vector<50x128xf32>
    %reduce_sum3A_129 = arith.constant dense<0.000000e+00> : vector<128xf32>
    %reduce_sum3A_130 = vector.multi_reduction <add>, %transpose3A_128, %reduce_sum3A_129 [0] : vector<50x128xf32> to vector<128xf32>
    %broadcast_in_dim3A_131 = vector.shape_cast %reduce_sum3A_130 : vector<128xf32> to vector<1x128xf32>
    %slice3A_132 = vector.extract_strided_slice %mul3A_39 {offsets = [2432, 0], sizes = [128, 50], strides = [1, 1]} : vector<4096x50xf32> to vector<128x50xf32>
    %transpose3A_133 = tpu.transpose %slice3A_132, [1, 0] : vector<128x50xf32> -> vector<50x128xf32>
    %reduce_sum3A_134 = arith.constant dense<0.000000e+00> : vector<128xf32>
    %reduce_sum3A_135 = vector.multi_reduction <add>, %transpose3A_133, %reduce_sum3A_134 [0] : vector<50x128xf32> to vector<128xf32>
    %broadcast_in_dim3A_136 = vector.shape_cast %reduce_sum3A_135 : vector<128xf32> to vector<1x128xf32>
    %slice3A_137 = vector.extract_strided_slice %mul3A_39 {offsets = [2560, 0], sizes = [128, 50], strides = [1, 1]} : vector<4096x50xf32> to vector<128x50xf32>
    %transpose3A_138 = tpu.transpose %slice3A_137, [1, 0] : vector<128x50xf32> -> vector<50x128xf32>
    %reduce_sum3A_139 = arith.constant dense<0.000000e+00> : vector<128xf32>
    %reduce_sum3A_140 = vector.multi_reduction <add>, %transpose3A_138, %reduce_sum3A_139 [0] : vector<50x128xf32> to vector<128xf32>
    %broadcast_in_dim3A_141 = vector.shape_cast %reduce_sum3A_140 : vector<128xf32> to vector<1x128xf32>
    %slice3A_142 = vector.extract_strided_slice %mul3A_39 {offsets = [2688, 0], sizes = [128, 50], strides = [1, 1]} : vector<4096x50xf32> to vector<128x50xf32>
    %transpose3A_143 = tpu.transpose %slice3A_142, [1, 0] : vector<128x50xf32> -> vector<50x128xf32>
    %reduce_sum3A_144 = arith.constant dense<0.000000e+00> : vector<128xf32>
    %reduce_sum3A_145 = vector.multi_reduction <add>, %transpose3A_143, %reduce_sum3A_144 [0] : vector<50x128xf32> to vector<128xf32>
    %broadcast_in_dim3A_146 = vector.shape_cast %reduce_sum3A_145 : vector<128xf32> to vector<1x128xf32>
    %slice3A_147 = vector.extract_strided_slice %mul3A_39 {offsets = [2816, 0], sizes = [128, 50], strides = [1, 1]} : vector<4096x50xf32> to vector<128x50xf32>
    %transpose3A_148 = tpu.transpose %slice3A_147, [1, 0] : vector<128x50xf32> -> vector<50x128xf32>
    %reduce_sum3A_149 = arith.constant dense<0.000000e+00> : vector<128xf32>
    %reduce_sum3A_150 = vector.multi_reduction <add>, %transpose3A_148, %reduce_sum3A_149 [0] : vector<50x128xf32> to vector<128xf32>
    %broadcast_in_dim3A_151 = vector.shape_cast %reduce_sum3A_150 : vector<128xf32> to vector<1x128xf32>
    %slice3A_152 = vector.extract_strided_slice %mul3A_39 {offsets = [2944, 0], sizes = [128, 50], strides = [1, 1]} : vector<4096x50xf32> to vector<128x50xf32>
    %transpose3A_153 = tpu.transpose %slice3A_152, [1, 0] : vector<128x50xf32> -> vector<50x128xf32>
    %reduce_sum3A_154 = arith.constant dense<0.000000e+00> : vector<128xf32>
    %reduce_sum3A_155 = vector.multi_reduction <add>, %transpose3A_153, %reduce_sum3A_154 [0] : vector<50x128xf32> to vector<128xf32>
    %broadcast_in_dim3A_156 = vector.shape_cast %reduce_sum3A_155 : vector<128xf32> to vector<1x128xf32>
    %slice3A_157 = vector.extract_strided_slice %mul3A_39 {offsets = [3072, 0], sizes = [128, 50], strides = [1, 1]} : vector<4096x50xf32> to vector<128x50xf32>
    %transpose3A_158 = tpu.transpose %slice3A_157, [1, 0] : vector<128x50xf32> -> vector<50x128xf32>
    %reduce_sum3A_159 = arith.constant dense<0.000000e+00> : vector<128xf32>
    %reduce_sum3A_160 = vector.multi_reduction <add>, %transpose3A_158, %reduce_sum3A_159 [0] : vector<50x128xf32> to vector<128xf32>
    %broadcast_in_dim3A_161 = vector.shape_cast %reduce_sum3A_160 : vector<128xf32> to vector<1x128xf32>
    %slice3A_162 = vector.extract_strided_slice %mul3A_39 {offsets = [3200, 0], sizes = [128, 50], strides = [1, 1]} : vector<4096x50xf32> to vector<128x50xf32>
    %transpose3A_163 = tpu.transpose %slice3A_162, [1, 0] : vector<128x50xf32> -> vector<50x128xf32>
    %reduce_sum3A_164 = arith.constant dense<0.000000e+00> : vector<128xf32>
    %reduce_sum3A_165 = vector.multi_reduction <add>, %transpose3A_163, %reduce_sum3A_164 [0] : vector<50x128xf32> to vector<128xf32>
    %broadcast_in_dim3A_166 = vector.shape_cast %reduce_sum3A_165 : vector<128xf32> to vector<1x128xf32>
    %slice3A_167 = vector.extract_strided_slice %mul3A_39 {offsets = [3328, 0], sizes = [128, 50], strides = [1, 1]} : vector<4096x50xf32> to vector<128x50xf32>
    %transpose3A_168 = tpu.transpose %slice3A_167, [1, 0] : vector<128x50xf32> -> vector<50x128xf32>
    %reduce_sum3A_169 = arith.constant dense<0.000000e+00> : vector<128xf32>
    %reduce_sum3A_170 = vector.multi_reduction <add>, %transpose3A_168, %reduce_sum3A_169 [0] : vector<50x128xf32> to vector<128xf32>
    %broadcast_in_dim3A_171 = vector.shape_cast %reduce_sum3A_170 : vector<128xf32> to vector<1x128xf32>
    %slice3A_172 = vector.extract_strided_slice %mul3A_39 {offsets = [3456, 0], sizes = [128, 50], strides = [1, 1]} : vector<4096x50xf32> to vector<128x50xf32>
    %transpose3A_173 = tpu.transpose %slice3A_172, [1, 0] : vector<128x50xf32> -> vector<50x128xf32>
    %reduce_sum3A_174 = arith.constant dense<0.000000e+00> : vector<128xf32>
    %reduce_sum3A_175 = vector.multi_reduction <add>, %transpose3A_173, %reduce_sum3A_174 [0] : vector<50x128xf32> to vector<128xf32>
    %broadcast_in_dim3A_176 = vector.shape_cast %reduce_sum3A_175 : vector<128xf32> to vector<1x128xf32>
    %slice3A_177 = vector.extract_strided_slice %mul3A_39 {offsets = [3584, 0], sizes = [128, 50], strides = [1, 1]} : vector<4096x50xf32> to vector<128x50xf32>
    %transpose3A_178 = tpu.transpose %slice3A_177, [1, 0] : vector<128x50xf32> -> vector<50x128xf32>
    %reduce_sum3A_179 = arith.constant dense<0.000000e+00> : vector<128xf32>
    %reduce_sum3A_180 = vector.multi_reduction <add>, %transpose3A_178, %reduce_sum3A_179 [0] : vector<50x128xf32> to vector<128xf32>
    %broadcast_in_dim3A_181 = vector.shape_cast %reduce_sum3A_180 : vector<128xf32> to vector<1x128xf32>
    %slice3A_182 = vector.extract_strided_slice %mul3A_39 {offsets = [3712, 0], sizes = [128, 50], strides = [1, 1]} : vector<4096x50xf32> to vector<128x50xf32>
    %transpose3A_183 = tpu.transpose %slice3A_182, [1, 0] : vector<128x50xf32> -> vector<50x128xf32>
    %reduce_sum3A_184 = arith.constant dense<0.000000e+00> : vector<128xf32>
    %reduce_sum3A_185 = vector.multi_reduction <add>, %transpose3A_183, %reduce_sum3A_184 [0] : vector<50x128xf32> to vector<128xf32>
    %broadcast_in_dim3A_186 = vector.shape_cast %reduce_sum3A_185 : vector<128xf32> to vector<1x128xf32>
    %slice3A_187 = vector.extract_strided_slice %mul3A_39 {offsets = [3840, 0], sizes = [128, 50], strides = [1, 1]} : vector<4096x50xf32> to vector<128x50xf32>
    %transpose3A_188 = tpu.transpose %slice3A_187, [1, 0] : vector<128x50xf32> -> vector<50x128xf32>
    %reduce_sum3A_189 = arith.constant dense<0.000000e+00> : vector<128xf32>
    %reduce_sum3A_190 = vector.multi_reduction <add>, %transpose3A_188, %reduce_sum3A_189 [0] : vector<50x128xf32> to vector<128xf32>
    %broadcast_in_dim3A_191 = vector.shape_cast %reduce_sum3A_190 : vector<128xf32> to vector<1x128xf32>
    %slice3A_192 = vector.extract_strided_slice %mul3A_39 {offsets = [3968, 0], sizes = [128, 50], strides = [1, 1]} : vector<4096x50xf32> to vector<128x50xf32>
    %transpose3A_193 = tpu.transpose %slice3A_192, [1, 0] : vector<128x50xf32> -> vector<50x128xf32>
    %reduce_sum3A_194 = arith.constant dense<0.000000e+00> : vector<128xf32>
    %reduce_sum3A_195 = vector.multi_reduction <add>, %transpose3A_193, %reduce_sum3A_194 [0] : vector<50x128xf32> to vector<128xf32>
    %broadcast_in_dim3A_196 = vector.shape_cast %reduce_sum3A_195 : vector<128xf32> to vector<1x128xf32>
    %concatenate3A = tpu.concatenate %broadcast_in_dim3A, %broadcast_in_dim3A_46, %broadcast_in_dim3A_51, %broadcast_in_dim3A_56, %broadcast_in_dim3A_61, %broadcast_in_dim3A_66, %broadcast_in_dim3A_71, %broadcast_in_dim3A_76, %broadcast_in_dim3A_81, %broadcast_in_dim3A_86, %broadcast_in_dim3A_91, %broadcast_in_dim3A_96, %broadcast_in_dim3A_101, %broadcast_in_dim3A_106, %broadcast_in_dim3A_111, %broadcast_in_dim3A_116, %broadcast_in_dim3A_121, %broadcast_in_dim3A_126, %broadcast_in_dim3A_131, %broadcast_in_dim3A_136, %broadcast_in_dim3A_141, %broadcast_in_dim3A_146, %broadcast_in_dim3A_151, %broadcast_in_dim3A_156, %broadcast_in_dim3A_161, %broadcast_in_dim3A_166, %broadcast_in_dim3A_171, %broadcast_in_dim3A_176, %broadcast_in_dim3A_181, %broadcast_in_dim3A_186, %broadcast_in_dim3A_191, %broadcast_in_dim3A_196 in 0 : vector<1x128xf32>, vector<1x128xf32>, vector<1x128xf32>, vector<1x128xf32>, vector<1x128xf32>, vector<1x128xf32>, vector<1x128xf32>, vector<1x128xf32>, vector<1x128xf32>, vector<1x128xf32>, vector<1x128xf32>, vector<1x128xf32>, vector<1x128xf32>, vector<1x128xf32>, vector<1x128xf32>, vector<1x128xf32>, vector<1x128xf32>, vector<1x128xf32>, vector<1x128xf32>, vector<1x128xf32>, vector<1x128xf32>, vector<1x128xf32>, vector<1x128xf32>, vector<1x128xf32>, vector<1x128xf32>, vector<1x128xf32>, vector<1x128xf32>, vector<1x128xf32>, vector<1x128xf32>, vector<1x128xf32>, vector<1x128xf32>, vector<1x128xf32> -> vector<32x128xf32>
    %get3A_197 = arith.constant 0 : index
    %get3A_198 = arith.constant 0 : index
    %get3A_199 = vector.load %arg8[%get3A_197, %get3A_198] : memref<1x1xf32, #tpu.memory_space<vmem>>, vector<1x1xf32>
    %add3A_200 = vector.broadcast %get3A_199 : vector<1x1xf32> to vector<32x128xf32>
    %add3A_201 = arith.addf %concatenate3A, %add3A_200 : vector<32x128xf32>
    %swap3A = arith.constant 0 : index
    %swap3A_202 = arith.constant 0 : index
    %swap3A_203 = vector.load %arg9[%swap3A, %swap3A_202] : memref<32x128xf32, #tpu.memory_space<vmem>>, vector<32x128xf32>
    tpu.vector_store %arg9[%swap3A, %swap3A_202], %add3A_201 {strides = array<i32>} : memref<32x128xf32, #tpu.memory_space<vmem>>, vector<32x128xf32>,
    return
  }
  func.func @transform_0(%arg0: i32) -> (i32, i32) {
    %c0_i32 = arith.constant 0 : i32
    %c0_i32_0 = arith.constant 0 : i32
    return %arg0, %c0_i32 : i32, i32
  }
  func.func @transform_1(%arg0: i32) -> (i32, i32) {
    %c0_i32 = arith.constant 0 : i32
    %c0_i32_0 = arith.constant 0 : i32
    return %arg0, %c0_i32 : i32, i32
  }
  func.func @transform_2(%arg0: i32) -> (i32, i32) {
    %c0_i32 = arith.constant 0 : i32
    %c0_i32_0 = arith.constant 0 : i32
    %c0_i32_1 = arith.constant 0 : i32
    return %c0_i32, %c0_i32_0 : i32, i32
  }
  func.func @transform_3(%arg0: i32) -> (i32, i32) {
    %c0_i32 = arith.constant 0 : i32
    %c0_i32_0 = arith.constant 0 : i32
    %c0_i32_1 = arith.constant 0 : i32
    return %c0_i32, %c0_i32_0 : i32, i32
  }
  func.func @transform_4(%arg0: i32) -> (i32, i32) {
    %c0_i32 = arith.constant 0 : i32
    %c0_i32_0 = arith.constant 0 : i32
    %c0_i32_1 = arith.constant 0 : i32
    return %c0_i32, %c0_i32_0 : i32, i32
  }
  func.func @transform_5(%arg0: i32) -> (i32, i32) {
    %c0_i32 = arith.constant 0 : i32
    %c0_i32_0 = arith.constant 0 : i32
    %c0_i32_1 = arith.constant 0 : i32
    return %c0_i32, %c0_i32_0 : i32, i32
  }
  func.func @transform_6(%arg0: i32) -> (i32, i32) {
    %c0_i32 = arith.constant 0 : i32
    %c0_i32_0 = arith.constant 0 : i32
    %c0_i32_1 = arith.constant 0 : i32
    return %c0_i32, %c0_i32_0 : i32, i32
  }
  func.func @transform_7(%arg0: i32) -> (i32, i32) {
    %c0_i32 = arith.constant 0 : i32
    %c0_i32_0 = arith.constant 0 : i32
    %c0_i32_1 = arith.constant 0 : i32
    return %c0_i32, %c0_i32_0 : i32, i32
  }
  func.func @transform_8(%arg0: i32) -> (i32, i32) {
    %add3A = arith.constant 0 : i32
    %add3A_0 = arith.addi %add3A, %arg0 : i32
    %c0_i32 = arith.constant 0 : i32
    %c0_i32_1 = arith.constant 0 : i32
    return %add3A_0, %c0_i32 : i32, i32
  }
}

</mosaic_0001>

<sc_bundles>
// kernel: kernel.6.cloned.1.call-start
scs
__scs_entry_jumppad:
0x0: {  	(pc) =	sbr.rel $0x88, $3  }
0x1: {  	(tag) =	ssettag $0x0;
	lr =	simm.s32 $0x1  }
0x2: {  	[smem:$0x3F97] =	sst lr;
	_ =	strace $0xD0000000  }
0x3: {  	_ = 	snop  }
0x4: {  	_ = 	snop  }
0x5: {  	_ = 	snop  }
0x6: {  	_ = 	snop  }
0x7: {  	_ = 	snop  }
__scs_overlays_trampoline_lowered:
0x8: {  	[smem:$0x3FA6] =	sst s0  }
0x9: {  	[smem:$0x3FA7] =	sst s1  }
0xa: {  	[smem:$0x3FA8] =	sst s2  }
0xb: {  	[smem:$0x3FA9] =	sst s3  }
0xc: {  	[smem:$0x3FAA] =	sst s4  }
0xd: {  	[smem:$0x3FAB] =	sst s5  }
0xe: {  	[smem:$0x3FAC] =	sst s6  }
0xf: {  	[smem:$0x3FAD] =	sst s7  }
0x10: {  	[smem:$0x3FAE] =	sst s8  }
0x11: {  	[smem:$0x3FAF] =	sst s9;
	s0 =	simm.s32 @!p0 $0x0  }
0x12: {  	s1 =	sld [smem:$0x3F95];
	s0 =	simm.s32 @p0 $0x1  }
0x13: {  	[smem:$0x3FB0] =	sst s0;
	s0 =	simm.s32 @!p1 $0x0  }
0x14: {  	s2 =	sld [smem:$0x3F94];
	s0 =	simm.s32 @p1 $0x1  }
0x15: {  	[smem:$0x3FB1] =	sst s0;
	s0 =	simm.s32 @!p2 $0x0  }
0x16: {  	s3 =	sld [smem:$0x3FDB];
	s0 =	simm.s32 @p2 $0x1  }
0x17: {  	s4 =	simm.s32 $0x1BF5;
	[smem:$0x3FB3] =	sst s0  }
0x18: {  	s0 =	sld [smem:$0x3F96];
	_ =	swait.ge [sflag:s4], $0x0  }
0x19: {  	s7 =	sld [smem:$0x3F97]  }
0x1a: {  	s8 =	sadd.s32 $0xFFFFE003, lr  }
0x1b: {  	s9 =	sadd.s32 $0xFFFFFEF7, lr;
	s5 =	simm.s32 $0xFFFFFFFF;
	p2 =	slt.u32 s8, $0xFFFFF086  }
0x1c: {  	p1 =	slt.u32 s9, $0xF7A;
	s5 =	simm.s32 @!p2 $0x0  }
0x1d: {  	s5 =	simm.s32 @p1 $0x1;
	p0 =	seq.s32 s7, s2  }
0x1e: {  	s7 =	smul.u32 @!p0 $0xF7A, s2;
	p2 =	seq.s32 @!p0 s5, $0x0  }
0x1f: {  	s9 =	smul.u32 $0xF7A, s1;
	s8 =	simm.s32 @!p0 $0x1BF5;
	p2 =	por !p2, p0  }
0x20: {  	[sflag:s8] =	ssyncset.s32 @!p0 $0xFFFFF086;
	s6 =	sadd.s32 @!p0 s3, s7;
	s7 =	simm.s32 @!p0 $0x108  }
0x21: {  	s3 =	sadd.s32 s3, s9;
	s6 =	sadd.s32 @!p0 $0x88, s6;
	s7 =	simm.s32 @p2 $0x1082  }
0x22: {  	[simem:s7], [sflag:s8] =	dma.local @!p0 [hbm:s6], $0xF7A  }
0x23: {  	s9 =	sor.u32 $0xD0000000, s2;
	s6 =	simm.s32 $0x108;
	_ =	swait.ge @!p0 [sflag:s8], $0x0  }
0x24: {  	s3 =	sadd.s32 $0x88, s3;
	s6 =	simm.s32 @!p1 $0x1082;
	[sflag:s4] =	ssyncset.s32 $0xFFFFF086  }
0x25: {  	[simem:s6], [sflag:s4] =	dma.local [hbm:s3], $0xF7A  }
0x26: {  	[smem:$0x3F97] =	sst s1;
	(tag) =	ssettag s2;
	_ =	strace s9  }
0x27: {  	s1 =	sld [smem:$0x3FA7]  }
0x28: {  	s2 =	sld [smem:$0x3FA8]  }
0x29: {  	s4 =	sld [smem:$0x3FAA]  }
0x2a: {  	p0 =	seq.s32 s5, $0x0;
	s5 =	sld [smem:$0x3FAB]  }
0x2b: {  	s6 =	sld [smem:$0x3FAC]  }
0x2c: {  	s7 =	sld [smem:$0x3FAD]  }
0x2d: {  	s3 =	simm.s32 $0x108;
	s8 =	sld [smem:$0x3FAE]  }
0x2e: {  	s3 =	simm.s32 @!p0 $0x1082;
	s9 =	sld [smem:$0x3FAF]  }
0x2f: {  	lr =	sadd.s32 s0, s3;
	s0 =	sld [smem:$0x3FA6]  }
0x30: {  	s3 =	sld [smem:$0x3FA9]  }
0x31: {  	[smem:$0x3FB2] =	sst s10  }
0x32: {  	s10 =	sld [smem:$0x3FB0];
	_ =	sdelay $0x3  }
0x33: {  	p0 =	seq.s32 s10, $0x1;
	s10 =	sld [smem:$0x3FB2];
	_ =	sdelay $0x3  }
0x34: {  	[smem:$0x3FB2] =	sst s10  }
0x35: {  	s10 =	sld [smem:$0x3FB1];
	_ =	sdelay $0x3  }
0x36: {  	p1 =	seq.s32 s10, $0x1;
	s10 =	sld [smem:$0x3FB2];
	_ =	sdelay $0x3  }
0x37: {  	[smem:$0x3FB2] =	sst s10  }
0x38: {  	s10 =	sld [smem:$0x3FB3]  }
0x39: {  	_ = 	snop;
	(pc) =	sbr.ind lr, $3  }
0x3a: {  	_ = 	snop  }
0x3b: {  	_ = 	snop  }
0x3c: {  	p2 =	seq.s32 s10, $0x1;
	s10 =	sld [smem:$0x3FB2]  }
0x3d: {  	_ =	shalt  }
0x3e: {  	_ =	shalt  }
0x3f: {  	_ =	shalt  }
0x40: {  	_ =	shalt  }
0x41: {  	_ =	shalt  }
0x42: {  	_ =	shalt  }
0x43: {  	_ =	shalt  }
0x44: {  	_ =	shalt  }
0x45: {  	_ =	shalt  }
0x46: {  	_ =	shalt  }
0x47: {  	_ =	shalt  }
0x48: {  	_ =	shalt  }
0x49: {  	_ =	shalt  }
0x4a: {  	_ =	shalt  }
0x4b: {  	_ =	shalt  }
0x4c: {  	_ =	shalt  }
0x4d: {  	_ =	shalt  }
0x4e: {  	_ =	shalt  }
0x4f: {  	_ =	shalt  }
0x50: {  	_ =	shalt  }
0x51: {  	_ =	shalt  }
0x52: {  	_ =	shalt  }
0x53: {  	_ =	shalt  }
0x54: {  	_ =	shalt  }
0x55: {  	_ =	shalt  }
0x56: {  	_ =	shalt  }
0x57: {  	_ =	shalt  }
0x58: {  	_ =	shalt  }
0x59: {  	_ =	shalt  }
0x5a: {  	_ =	shalt  }
0x5b: {  	_ =	shalt  }
0x5c: {  	_ =	shalt  }
0x5d: {  	_ =	shalt  }
0x5e: {  	_ =	shalt  }
0x5f: {  	_ =	shalt  }
0x60: {  	_ =	shalt  }
0x61: {  	_ =	shalt  }
0x62: {  	_ =	shalt  }
0x63: {  	_ =	shalt  }
0x64: {  	_ =	shalt  }
0x65: {  	_ =	shalt  }
0x66: {  	_ =	shalt  }
0x67: {  	_ =	shalt  }
0x68: {  	_ =	shalt  }
0x69: {  	_ =	shalt  }
0x6a: {  	_ =	shalt  }
0x6b: {  	_ =	shalt  }
0x6c: {  	_ =	shalt  }
0x6d: {  	_ =	shalt  }
0x6e: {  	_ =	shalt  }
0x6f: {  	_ =	shalt  }
0x70: {  	_ =	shalt  }
0x71: {  	_ =	shalt  }
0x72: {  	_ =	shalt  }
0x73: {  	_ =	shalt  }
0x74: {  	_ =	shalt  }
0x75: {  	_ =	shalt  }
0x76: {  	_ =	shalt  }
0x77: {  	_ =	shalt  }
0x78: {  	_ =	shalt  }
0x79: {  	_ =	shalt  }
0x7a: {  	_ =	shalt  }
0x7b: {  	_ =	shalt  }
0x7c: {  	_ =	shalt  }
0x7d: {  	_ =	shalt  }
0x7e: {  	_ =	shalt  }
0x7f: {  	_ =	shalt  }
0x80: {  	_ =	shalt  }
0x81: {  	_ =	shalt  }
0x82: {  	_ =	shalt  }
0x83: {  	_ =	shalt  }
0x84: {  	_ =	shalt  }
0x85: {  	_ =	shalt  }
0x86: {  	_ =	shalt  }
0x87: {  	_ =	shalt  }
.Lfunc_end0:
.L_simem_size_0:
called_computation_lowered:
.L_overlay_start_0:
0x88: {  	s2 =	sld [smem:$0x3FD9]  }
0x89: {  	s3 =	sld [smem:$0x3FFE];
	_ =	sdelay $0x1  }
0x8a: {  	s1 =	srdreg.scid  }
0x8b: {  	s0 =	sand.u32 $0x1, s1  }
0x8c: {  	s17 =	sshll.u32 s0, $0xA;
	s2 =	sadd.s32 s3, s2  }
0x8d: {  	s2 =	sadd.s32 s2, s17  }
0x8e: {  	[smem:$0x3FBE] =	sst s2  }
0x8f: {  	_ = 	snop  }
0x90: {  	s2 =	sld [smem:$0x3FC9]  }
0x91: {  	s18 =	sld [smem:$0x3FC8]  }
0x92: {  	s4 =	sld [smem:$0x3FC7]  }
0x93: {  	s5 =	sld [smem:$0x3FC6];
	(tm) =	ssettm $0x1  }
0x94: {  	s6 =	sld [smem:$0x3FFB];
	_ =	sdelay $0x3  }
0x95: {  	_ =	strace s6  }
0x96: {  	s6 =	sld [smem:$0x3FFC];
	_ =	sdelay $0x3  }
0x97: {  	_ =	strace s6  }
0x98: {  	s6 =	sld [smem:$0x3FFD];
	_ =	sdelay $0x3  }
0x99: {  	_ =	strace s6  }
0x9a: {  	_ =	strace $0x8FFFFFFF  }
0x9b: {  	s19 =	sld [smem:$0x3FDB];
	_ =	sdelay $0x1  }
0x9c: {  	s7 =	simm.s32 $_scs_section_size  }
0x9d: {  	s8 =	simm.s32 $_size__tile_overlayer_lowered;
	s9 =	simm.s32 $_tile_overlayer_lowered  }
0x9e: {  	s22 =	simm.s32 $0x1BFF;
	s21 =	sshll.u32 s9, $0x1;
	s6 =	sadd.s32 s7, s19  }
0x9f: {  	s10 =	simm.s32 $0x0;
	s20 =	sshll.u32 s8, $0x1;
	s8 =	sadd.s32 s21, s6  }
0xa0: {  	[timem:s10], [sflag:s22] =	dma.local [hbm:s8], s20  }
0xa1: {  	_ =	swait.ge [sflag:s22], s20  }
0xa2: {  	s7 =	ssub.s32 $0x0, s20;
	[sflag:s22] =	ssyncset.done $0x0  }
0xa3: {  	[sflag:s22] =	ssyncadd.s32 s7;
	_ =	sdelay $0x1  }
0xa4: {  	s23 =	simm.s32 $0x1B8B  }
0xa5: {  	_ =	swait.ge [sflag:s23], $0x1  }
0xa6: {  	[sflag:s23] =	ssyncset.done $0x0  }
0xa7: {  	s25 =	simm.s32 $0x1B8E;
	s24 =	sld [smem:$0x3FFE];
	[sflag:s23] =	ssyncadd.s32 $0xFFFFFFFF  }
0xa8: {  	s26 =	simm.s32 $execute0_lowered;
	[smem:$0x3FD2] =	sst s25  }
0xa9: {  	s8 =	sshll.u32 s26, $0x1;
	_ =	strace $0x80000046;
	[dreg:$0x1] =	wrdreg $0xFFFFFFFF  }
0xaa: {  	s28 =	simm.s32 $_size_execute0_lowered;
	s6 =	sadd.s32 s6, s8;
	[dreg:$0x0] =	wrdreg $0x0  }
0xab: {  	s8 =	sshll.u32 s28, $0x1;
	[dreg:$0x2] =	wrdreg s6  }
0xac: {  	[dreg:$0x3] =	wrdreg s8  }
0xad: {  	[dreg:$0x4] =	wrdreg $0xC0  }
0xae: {  	_ =	task [dreg:s10], $0x5FFFF  }
0xaf: {  	[dreg:$0x1] =	wrdreg $0xFFFFFFFF  }
0xb0: {  	[dreg:$0x0] =	wrdreg $0x60  }
0xb1: {  	[dreg:$0x2] =	wrdreg s2  }
0xb2: {  	[dreg:$0x3] =	wrdreg s18  }
0xb3: {  	[dreg:$0x4] =	wrdreg s4  }
0xb4: {  	[dreg:$0x5] =	wrdreg s5  }
0xb5: {  	[dreg:$0x6] =	wrdreg s24  }
0xb6: {  	[dreg:$0x7] =	wrdreg $0x9  }
0xb7: {  	_ =	task.clear_ibuf [dreg:s10], $0x8FFFF;
	_ =	strace $0x90000046  }
0xb8: {  	s29 =	simm.s32 $0x9;
	_ =	strace $0x80000048  }
0xb9: {  	_ =	swait.ge [sflag:s29], $0x1  }
0xba: {  	[sflag:s29] =	ssyncadd.s32 $0xFFFFFFFF  }
0xbb: {  	_ =	strace $0x90000048  }
0xbc: {  	_ =	sfence  }
0xbd: {  	s30 =	sld [smem:$0x0];
	_ =	sdelay $0x2  }
0xbe: {  	s31 =	sshll.u32 s1, $0xD;
	s1 =	sshrl.u32 s1, $0x2  }
0xbf: {  	s3 =	sand.u32 $0x4000, s31;
	s1 =	sadd.s32 s1, s30  }
0xc0: {  	s0 =	sor.u32 s3, s0;
	s1 =	sshll.u32 s1, $0x11  }
0xc1: {  	s0 =	sor.u32 s1, s0  }
0xc2: {  	s0 =	sadd.s32 $0x8F2B, s0  }
0xc3: {  	[sflag:s0] =	ssyncadd.remote.s32 $0x1  }
0xc4: {  	_ =	sfence.sel $0xFFFF  }
0xc5: {  	[dreg:$0x0] =	wrdreg $0xFFFFFFFF;
	(pc) =	sbr.abs _section_cstart, $3  }
0xc6: {  	[dreg:$0x1] =	wrdreg $0xFFFFFFFF  }
0xc7: {  	_ =	task.clear_ibuf [dreg:s10], $0x2FFFF;
	_ =	strace $0x9FFFFFFF  }
0xc8: {  	(tm) =	ssettm $0x7FFFFFFF  }
0xc9: {  	_ =	shalt  }
tec
execute0_lowered:
.L_overlay_start_1:
0x0: {  	(tag) =	ssettag $0x1  }
0x1: {  	s5 =	rddreg [dreg:$0x0]  }
0x2: {  	s6 =	rddreg [dreg:$0x1];
	s2 =	srdreg.scid  }
0x3: {  	s1 =	rddreg [dreg:$0x2];
	s0 =	stileid.u32;
	s18 =	sand.u32 $0x1, s2  }
0x4: {  	s3 =	rddreg [dreg:$0x3];
	s7 =	sshll.u32 s0, $0x9;
	s8 =	sshll.u32 s18, $0x8  }
0x5: {  	s16 =	rddreg [dreg:$0x4];
	s4 =	simm.s32 $0x0;
	s17 =	sor.u32 s8, s7  }
0x6: {  	[smem:$0x7FF] =	sst s4;
	s7 =	sshrl.u32 s17, $0x3  }
0x7: {  	s2 =	rddreg [dreg:$0x5];
	_ =	strace $0x80000047;
	s5 =	sadd.s32 s5, s7  }
0x8: {  	[tilespmem:s4], [sflag:$0x3] =	stream.linear.gather [hbm4b:s5+s4], $0x100, $0x38;
	[tilespmem:$0x10200] =	vst v63  }
0x9: {  	s8 =	simm.s32 $0x100;
	s6 =	sadd.s32 s6, s7;
	s7 =	simm.s32 $0x3  }
0xa: {  	[tilespmem:s8], [sflag:$0x3] =	stream.linear.gather [hbm4b:s6+s4], $0x100, $0x38;
	[tilespmem:$0x10200] =	vst v63  }
0xb: {  	_ =	swait.ge [sflag:s7], $0x100  }
0xc: {  	[sflag:s7] =	ssyncset.done $0x0  }
0xd: {  	[sflag:s7] =	ssyncadd.s32 $0xFFFFFF00  }
0xe: {  	_ =	swait.ge [sflag:s7], $0x100  }
0xf: {  	[sflag:s7] =	ssyncset.done $0x0  }
0x10: {  	s9 =	simm.s32 $0x80;
	s10 =	simm.s32 $0x200;
	[sflag:s7] =	ssyncadd.s32 $0xFFFFFF00  }
0x11: {  	[tilespmem:s10], [sflag:$0x1] =	stream.indirect.gather [hbm4b:s1+s9], $0x80, s4, s9, $0xb8;
	[tilespmem:$0x10200] =	vst v63  }
0x12: {  	s11 =	simm.s32 $0x4200  }
0x13: {  	[tilespmem:s11], [sflag:$0x1] =	stream.indirect.gather [hbm4b:s1+s9], $0x80, s9, s9, $0xb8;
	[tilespmem:$0x10200] =	vst v63  }
0x14: {  	s12 =	simm.s32 $0x8200  }
0x15: {  	[tilespmem:s12], [sflag:$0x2] =	stream.indirect.gather [hbm4b:s3+s9], $0x80, s8, s9, $0xb8;
	[tilespmem:$0x10200] =	vst v63  }
0x16: {  	s13 =	simm.s32 $0x180;
	s14 =	simm.s32 $0xC200;
	s15 =	simm.s32 $0x1  }
0x17: {  	[tilespmem:s14], [sflag:$0x2] =	stream.indirect.gather [hbm4b:s3+s9], $0x80, s13, s9, $0xb8;
	[tilespmem:$0x10200] =	vst v63  }
0x18: {  	_ =	swait.ge [sflag:s15], $0x4000  }
0x19: {  	[sflag:s15] =	ssyncset.done $0x0  }
0x1a: {  	[sflag:s15] =	ssyncadd.s32 $0xFFFFC000  }
0x1b: {  	s17 =	sshll.u32 s17, $0x4;
	_ =	swait.ge [sflag:s15], $0x4000  }
0x1c: {  	s19 =	sadd.s32 s17, s16;
	[sflag:s15] =	ssyncset.done $0x0  }
0x1d: {  	s17 =	simm.s32 $0x2;
	s16 =	sadd.s32 $0x2200, s19;
	[sflag:s15] =	ssyncadd.s32 $0xFFFFC000  }
0x1e: {  	[hbm4b:s16+s4] =	stream.linear.scatter [tilespmem:s10], [sflag:$0x3], $0x8000, $0x38;
	[tilespmem:$0x10200] =	vst v63  }
0x1f: {  	_ =	swait.ge [sflag:s17], $0x4000  }
0x20: {  	s20 =	ssub.s32 $0x2, s18;
	[sflag:s17] =	ssyncset.done $0x0  }
0x21: {  	s31 =	sshrl.u32 s20, $0x1;
	[sflag:s17] =	ssyncadd.s32 $0xFFFFC000  }
0x22: {  	s18 =	sadd.s32 $0x22200, s19;
	s19 =	ssub.s32 s20, s31;
	_ =	swait.ge [sflag:s17], $0x4000  }
0x23: {  	s19 =	smax.u32 s19, $0x1;
	[sflag:s17] =	ssyncset.done $0x0  }
0x24: {  	p0 =	sne.s32 s19, $0x1;
	[sflag:s17] =	ssyncadd.s32 $0xFFFFC000  }
0x25: {  	[hbm4b:s18+s4] =	stream.linear.scatter [tilespmem:s12], [sflag:$0x3], $0x8000, $0x38;
	[tilespmem:$0x10200] =	vst v63  }
.Ltmp0:
0x26: {  	_ =	swait.ge [sflag:s7], $0x8000;
	(pc) =	sbr.rel @!p0 .LBB2_2-.Ltmp0, $4  }
0x27: {  	[sflag:s7] =	ssyncset.done $0x0  }
0x28: {  	[sflag:s7] =	ssyncadd.s32 $0xFFFF8000  }
0x29: {  	_ =	swait.ge [sflag:s7], $0x8000  }
0x2a: {  	s19 =	sadd.s32 $0xFFFFFFFF, s19;
	[sflag:s7] =	ssyncset.done $0x0  }
.LBB2_1:
0x2b: {  	p0 =	sne.s32 s19, $0x1;
	s19 =	sadd.s32 $0xFFFFFFFF, s19;
	[sflag:s7] =	ssyncadd.s32 $0xFFFF8000  }
0x2c: {  	[tilespmem:s4], [sflag:$0x3] =	stream.linear.gather [hbm4b:s5+s4], $0x100, $0x38;
	[tilespmem:$0x10200] =	vst v63  }
0x2d: {  	_ = 	snop  }
0x2e: {  	[tilespmem:s8], [sflag:$0x3] =	stream.linear.gather [hbm4b:s6+s4], $0x100, $0x38;
	[tilespmem:$0x10200] =	vst v63  }
0x2f: {  	_ =	swait.ge [sflag:s7], $0x100  }
0x30: {  	[sflag:s7] =	ssyncset.done $0x0  }
0x31: {  	[sflag:s7] =	ssyncadd.s32 $0xFFFFFF00  }
0x32: {  	_ =	swait.ge [sflag:s7], $0x100  }
0x33: {  	[sflag:s7] =	ssyncset.done $0x0  }
0x34: {  	[sflag:s7] =	ssyncadd.s32 $0xFFFFFF00  }
0x35: {  	[tilespmem:s10], [sflag:$0x1] =	stream.indirect.gather [hbm4b:s1+s9], $0x80, s4, s9, $0xb8;
	[tilespmem:$0x10200] =	vst v63  }
0x36: {  	_ = 	snop  }
0x37: {  	[tilespmem:s11], [sflag:$0x1] =	stream.indirect.gather [hbm4b:s1+s9], $0x80, s9, s9, $0xb8;
	[tilespmem:$0x10200] =	vst v63  }
0x38: {  	_ = 	snop  }
0x39: {  	[tilespmem:s12], [sflag:$0x2] =	stream.indirect.gather [hbm4b:s3+s9], $0x80, s8, s9, $0xb8;
	[tilespmem:$0x10200] =	vst v63  }
0x3a: {  	_ = 	snop  }
0x3b: {  	[tilespmem:s14], [sflag:$0x2] =	stream.indirect.gather [hbm4b:s3+s9], $0x80, s13, s9, $0xb8;
	[tilespmem:$0x10200] =	vst v63  }
0x3c: {  	_ =	swait.ge [sflag:s15], $0x4000  }
0x3d: {  	[sflag:s15] =	ssyncset.done $0x0  }
0x3e: {  	[sflag:s15] =	ssyncadd.s32 $0xFFFFC000  }
0x3f: {  	_ =	swait.ge [sflag:s15], $0x4000  }
0x40: {  	[sflag:s15] =	ssyncset.done $0x0  }
0x41: {  	[sflag:s15] =	ssyncadd.s32 $0xFFFFC000  }
0x42: {  	[hbm4b:s16+s4] =	stream.linear.scatter [tilespmem:s10], [sflag:$0x3], $0x8000, $0x38;
	[tilespmem:$0x10200] =	vst v63  }
0x43: {  	_ =	swait.ge [sflag:s17], $0x4000  }
0x44: {  	[sflag:s17] =	ssyncset.done $0x0  }
0x45: {  	[sflag:s17] =	ssyncadd.s32 $0xFFFFC000  }
0x46: {  	_ =	swait.ge [sflag:s17], $0x4000  }
0x47: {  	[sflag:s17] =	ssyncset.done $0x0  }
0x48: {  	[sflag:s17] =	ssyncadd.s32 $0xFFFFC000  }
0x49: {  	[hbm4b:s18+s4] =	stream.linear.scatter [tilespmem:s12], [sflag:$0x3], $0x8000, $0x38;
	[tilespmem:$0x10200] =	vst v63  }
.Ltmp1:
0x4a: {  	_ =	swait.ge [sflag:s7], $0x8000;
	(pc) =	sbr.rel @p0 .LBB2_1-.Ltmp1, $4  }
0x4b: {  	[sflag:s7] =	ssyncset.done $0x0  }
0x4c: {  	[sflag:s7] =	ssyncadd.s32 $0xFFFF8000  }
0x4d: {  	_ =	swait.ge [sflag:s7], $0x8000  }
0x4e: {  	[sflag:s7] =	ssyncset.done $0x0  }
.LBB2_2:
0x4f: {  	[sflag:s7] =	ssyncadd.s32 $0xFFFF8000  }
0x50: {  	_ =	sfence.sel $0x180000  }
0x51: {  	[bflag:$0x0] =	sbarrier.arrive $0xFFFF  }
0x52: {  	p0 =	sne.s32 s0, $0x0;
	_ =	strace $0x90000047  }
0x53: {  	s0 =	sadd.s32 @!p0 $0x100000, s2;
	[bflag:$0x2] =	sbarrier.arrive $0xFFFF  }
0x54: {  	[sflag:s0] =	ssyncadd.tile.s32 @!p0 $0x1;
	_ =	shalt  }
.Lfunc_end2:
_tile_overlayer_lowered:
.L_overlay_start_2:
0x55: {  	(tag) =	ssettag $0x2  }
0x56: {  	s0 =	rddreg [dreg:$0x0];
	s2 =	stileid.u32  }
0x57: {  	s1 =	rddreg [dreg:$0x1];
	p0 =	sne.s32 s2, $0x0  }
0x58: {  	s3 =	rddreg [dreg:$0x2];
	[bflag:$0x3] =	sbarrier.arrive $0xFFFF;
	s2 =	simm.s32 @!p0 $0x1C04  }
0x59: {  	[timem:s3], [sflag:s2] =	dma.local @!p0 [hbm:s0], s1  }
0x5a: {  	s0 =	simm.s32 @!p0 $0x4  }
0x5b: {  	_ =	swait.ge @!p0 [sflag:s0], s1  }
0x5c: {  	s1 =	ssub.s32 @!p0 $0x0, s1;
	[sflag:s0] =	ssyncset.done @!p0 $0x0  }
0x5d: {  	[sflag:s0] =	ssyncadd.s32 @!p0 s1  }
0x5e: {  	[bflag:$0x3] =	sbarrier.arrive $0xFFFF  }
0x5f: {  	_ =	shalt  }

// kernel: kernel.9.cloned.1.call-start
scs
__scs_entry_jumppad:
0x0: {  	(pc) =	sbr.rel $0x88, $3  }
0x1: {  	(tag) =	ssettag $0x0;
	lr =	simm.s32 $0x1  }
0x2: {  	[smem:$0x3F97] =	sst lr;
	_ =	strace $0xD0000000  }
0x3: {  	_ = 	snop  }
0x4: {  	_ = 	snop  }
0x5: {  	_ = 	snop  }
0x6: {  	_ = 	snop  }
0x7: {  	_ = 	snop  }
__scs_overlays_trampoline_lowered:
0x8: {  	[smem:$0x3FA6] =	sst s0  }
0x9: {  	[smem:$0x3FA7] =	sst s1  }
0xa: {  	[smem:$0x3FA8] =	sst s2  }
0xb: {  	[smem:$0x3FA9] =	sst s3  }
0xc: {  	[smem:$0x3FAA] =	sst s4  }
0xd: {  	[smem:$0x3FAB] =	sst s5  }
0xe: {  	[smem:$0x3FAC] =	sst s6  }
0xf: {  	[smem:$0x3FAD] =	sst s7  }
0x10: {  	[smem:$0x3FAE] =	sst s8  }
0x11: {  	[smem:$0x3FAF] =	sst s9;
	s0 =	simm.s32 @!p0 $0x0  }
0x12: {  	s1 =	sld [smem:$0x3F95];
	s0 =	simm.s32 @p0 $0x1  }
0x13: {  	[smem:$0x3FB0] =	sst s0;
	s0 =	simm.s32 @!p1 $0x0  }
0x14: {  	s2 =	sld [smem:$0x3F94];
	s0 =	simm.s32 @p1 $0x1  }
0x15: {  	[smem:$0x3FB1] =	sst s0;
	s0 =	simm.s32 @!p2 $0x0  }
0x16: {  	s3 =	sld [smem:$0x3FDB];
	s0 =	simm.s32 @p2 $0x1  }
0x17: {  	s4 =	simm.s32 $0x1BF5;
	[smem:$0x3FB3] =	sst s0  }
0x18: {  	s0 =	sld [smem:$0x3F96];
	_ =	swait.ge [sflag:s4], $0x0  }
0x19: {  	s7 =	sld [smem:$0x3F97]  }
0x1a: {  	s8 =	sadd.s32 $0xFFFFE003, lr  }
0x1b: {  	s9 =	sadd.s32 $0xFFFFFEF7, lr;
	s5 =	simm.s32 $0xFFFFFFFF;
	p2 =	slt.u32 s8, $0xFFFFF086  }
0x1c: {  	p1 =	slt.u32 s9, $0xF7A;
	s5 =	simm.s32 @!p2 $0x0  }
0x1d: {  	s5 =	simm.s32 @p1 $0x1;
	p0 =	seq.s32 s7, s2  }
0x1e: {  	s7 =	smul.u32 @!p0 $0xF7A, s2;
	p2 =	seq.s32 @!p0 s5, $0x0  }
0x1f: {  	s9 =	smul.u32 $0xF7A, s1;
	s8 =	simm.s32 @!p0 $0x1BF5;
	p2 =	por !p2, p0  }
0x20: {  	[sflag:s8] =	ssyncset.s32 @!p0 $0xFFFFF086;
	s6 =	sadd.s32 @!p0 s3, s7;
	s7 =	simm.s32 @!p0 $0x108  }
0x21: {  	s3 =	sadd.s32 s3, s9;
	s6 =	sadd.s32 @!p0 $0x88, s6;
	s7 =	simm.s32 @p2 $0x1082  }
0x22: {  	[simem:s7], [sflag:s8] =	dma.local @!p0 [hbm:s6], $0xF7A  }
0x23: {  	s9 =	sor.u32 $0xD0000000, s2;
	s6 =	simm.s32 $0x108;
	_ =	swait.ge @!p0 [sflag:s8], $0x0  }
0x24: {  	s3 =	sadd.s32 $0x88, s3;
	s6 =	simm.s32 @!p1 $0x1082;
	[sflag:s4] =	ssyncset.s32 $0xFFFFF086  }
0x25: {  	[simem:s6], [sflag:s4] =	dma.local [hbm:s3], $0xF7A  }
0x26: {  	[smem:$0x3F97] =	sst s1;
	(tag) =	ssettag s2;
	_ =	strace s9  }
0x27: {  	s1 =	sld [smem:$0x3FA7]  }
0x28: {  	s2 =	sld [smem:$0x3FA8]  }
0x29: {  	s4 =	sld [smem:$0x3FAA]  }
0x2a: {  	p0 =	seq.s32 s5, $0x0;
	s5 =	sld [smem:$0x3FAB]  }
0x2b: {  	s6 =	sld [smem:$0x3FAC]  }
0x2c: {  	s7 =	sld [smem:$0x3FAD]  }
0x2d: {  	s3 =	simm.s32 $0x108;
	s8 =	sld [smem:$0x3FAE]  }
0x2e: {  	s3 =	simm.s32 @!p0 $0x1082;
	s9 =	sld [smem:$0x3FAF]  }
0x2f: {  	lr =	sadd.s32 s0, s3;
	s0 =	sld [smem:$0x3FA6]  }
0x30: {  	s3 =	sld [smem:$0x3FA9]  }
0x31: {  	[smem:$0x3FB2] =	sst s10  }
0x32: {  	s10 =	sld [smem:$0x3FB0];
	_ =	sdelay $0x3  }
0x33: {  	p0 =	seq.s32 s10, $0x1;
	s10 =	sld [smem:$0x3FB2];
	_ =	sdelay $0x3  }
0x34: {  	[smem:$0x3FB2] =	sst s10  }
0x35: {  	s10 =	sld [smem:$0x3FB1];
	_ =	sdelay $0x3  }
0x36: {  	p1 =	seq.s32 s10, $0x1;
	s10 =	sld [smem:$0x3FB2];
	_ =	sdelay $0x3  }
0x37: {  	[smem:$0x3FB2] =	sst s10  }
0x38: {  	s10 =	sld [smem:$0x3FB3]  }
0x39: {  	_ = 	snop;
	(pc) =	sbr.ind lr, $3  }
0x3a: {  	_ = 	snop  }
0x3b: {  	_ = 	snop  }
0x3c: {  	p2 =	seq.s32 s10, $0x1;
	s10 =	sld [smem:$0x3FB2]  }
0x3d: {  	_ =	shalt  }
0x3e: {  	_ =	shalt  }
0x3f: {  	_ =	shalt  }
0x40: {  	_ =	shalt  }
0x41: {  	_ =	shalt  }
0x42: {  	_ =	shalt  }
0x43: {  	_ =	shalt  }
0x44: {  	_ =	shalt  }
0x45: {  	_ =	shalt  }
0x46: {  	_ =	shalt  }
0x47: {  	_ =	shalt  }
0x48: {  	_ =	shalt  }
0x49: {  	_ =	shalt  }
0x4a: {  	_ =	shalt  }
0x4b: {  	_ =	shalt  }
0x4c: {  	_ =	shalt  }
0x4d: {  	_ =	shalt  }
0x4e: {  	_ =	shalt  }
0x4f: {  	_ =	shalt  }
0x50: {  	_ =	shalt  }
0x51: {  	_ =	shalt  }
0x52: {  	_ =	shalt  }
0x53: {  	_ =	shalt  }
0x54: {  	_ =	shalt  }
0x55: {  	_ =	shalt  }
0x56: {  	_ =	shalt  }
0x57: {  	_ =	shalt  }
0x58: {  	_ =	shalt  }
0x59: {  	_ =	shalt  }
0x5a: {  	_ =	shalt  }
0x5b: {  	_ =	shalt  }
0x5c: {  	_ =	shalt  }
0x5d: {  	_ =	shalt  }
0x5e: {  	_ =	shalt  }
0x5f: {  	_ =	shalt  }
0x60: {  	_ =	shalt  }
0x61: {  	_ =	shalt  }
0x62: {  	_ =	shalt  }
0x63: {  	_ =	shalt  }
0x64: {  	_ =	shalt  }
0x65: {  	_ =	shalt  }
0x66: {  	_ =	shalt  }
0x67: {  	_ =	shalt  }
0x68: {  	_ =	shalt  }
0x69: {  	_ =	shalt  }
0x6a: {  	_ =	shalt  }
0x6b: {  	_ =	shalt  }
0x6c: {  	_ =	shalt  }
0x6d: {  	_ =	shalt  }
0x6e: {  	_ =	shalt  }
0x6f: {  	_ =	shalt  }
0x70: {  	_ =	shalt  }
0x71: {  	_ =	shalt  }
0x72: {  	_ =	shalt  }
0x73: {  	_ =	shalt  }
0x74: {  	_ =	shalt  }
0x75: {  	_ =	shalt  }
0x76: {  	_ =	shalt  }
0x77: {  	_ =	shalt  }
0x78: {  	_ =	shalt  }
0x79: {  	_ =	shalt  }
0x7a: {  	_ =	shalt  }
0x7b: {  	_ =	shalt  }
0x7c: {  	_ =	shalt  }
0x7d: {  	_ =	shalt  }
0x7e: {  	_ =	shalt  }
0x7f: {  	_ =	shalt  }
0x80: {  	_ =	shalt  }
0x81: {  	_ =	shalt  }
0x82: {  	_ =	shalt  }
0x83: {  	_ =	shalt  }
0x84: {  	_ =	shalt  }
0x85: {  	_ =	shalt  }
0x86: {  	_ =	shalt  }
0x87: {  	_ =	shalt  }
.Lfunc_end0:
.L_simem_size_0:
called_computation.1_lowered:
.L_overlay_start_0:
0x88: {  	s2 =	sld [smem:$0x3FD9]  }
0x89: {  	s3 =	sld [smem:$0x3FFE];
	_ =	sdelay $0x1  }
0x8a: {  	s1 =	srdreg.scid  }
0x8b: {  	s0 =	sand.u32 $0x1, s1  }
0x8c: {  	s17 =	sshll.u32 s0, $0xA;
	s2 =	sadd.s32 s3, s2  }
0x8d: {  	s2 =	sadd.s32 s2, s17  }
0x8e: {  	[smem:$0x3FBE] =	sst s2  }
0x8f: {  	_ = 	snop  }
0x90: {  	s18 =	sld [smem:$0x3FC9]  }
0x91: {  	s4 =	sld [smem:$0x3FC8]  }
0x92: {  	s5 =	sld [smem:$0x3FC7]  }
0x93: {  	s6 =	sld [smem:$0x3FC6];
	(tm) =	ssettm $0x1  }
0x94: {  	s19 =	sld [smem:$0x3FFB];
	_ =	sdelay $0x3  }
0x95: {  	_ =	strace s19  }
0x96: {  	s2 =	sld [smem:$0x3FFC];
	_ =	sdelay $0x3  }
0x97: {  	_ =	strace s2  }
0x98: {  	s2 =	sld [smem:$0x3FFD];
	_ =	sdelay $0x3  }
0x99: {  	_ =	strace s2  }
0x9a: {  	_ =	strace $0x8FFFFFFF  }
0x9b: {  	s20 =	sld [smem:$0x3FDB];
	_ =	sdelay $0x1  }
0x9c: {  	s7 =	simm.s32 $_scs_section_size  }
0x9d: {  	s8 =	simm.s32 $_size__tile_overlayer_lowered;
	s9 =	simm.s32 $_tile_overlayer_lowered  }
0x9e: {  	s10 =	simm.s32 $0x1BFF;
	s21 =	sshll.u32 s9, $0x1;
	s7 =	sadd.s32 s7, s20  }
0x9f: {  	s22 =	simm.s32 $0x0;
	s8 =	sshll.u32 s8, $0x1;
	s9 =	sadd.s32 s21, s7  }
0xa0: {  	[timem:s22], [sflag:s10] =	dma.local [hbm:s9], s8  }
0xa1: {  	_ =	swait.ge [sflag:s10], s8  }
0xa2: {  	s8 =	ssub.s32 $0x0, s8;
	[sflag:s10] =	ssyncset.done $0x0  }
0xa3: {  	[sflag:s10] =	ssyncadd.s32 s8;
	_ =	sdelay $0x1  }
0xa4: {  	s23 =	simm.s32 $0x1B8B  }
0xa5: {  	_ =	swait.ge [sflag:s23], $0x1  }
0xa6: {  	[sflag:s23] =	ssyncset.done $0x0  }
0xa7: {  	[sflag:s23] =	ssyncadd.s32 $0xFFFFFFFF  }
0xa8: {  	s8 =	sld [smem:$0x0]  }
0xa9: {  	s9 =	sand.u32 $0xFFFFFFFE, s1  }
0xaa: {  	p0 =	sne.s32 s1, s9  }
0xab: {  	s9 =	sshll.u32 @p0 s9, $0xE  }
0xac: {  	s9 =	sadd.s32 @p0 $0x11B8D, s9;
	s10 =	sshll.u32 @p0 s8, $0x11  }
0xad: {  	s9 =	sor.u32 @p0 s10, s9  }
0xae: {  	[sflag:s9] =	ssyncadd.remote.s32 @p0 $0x1;
	_ =	sdelay $0x1  }
0xaf: {  	s9 =	simm.s32 @p0 $0x1B8D  }
0xb0: {  	_ =	swait.eq @p0 [sflag:s9], $0x1  }
0xb1: {  	[sflag:s9] =	ssyncadd.s32 @p0 $0xFFFFFFFF  }
0xb2: {  	s10 =	sshll.u32 @!p0 s1, $0xE  }
0xb3: {  	s10 =	sor.u32 @!p0 $0x4000, s10;
	s9 =	simm.s32 @!p0 $0x1B8D  }
0xb4: {  	s8 =	sshll.u32 @!p0 s8, $0x11;
	s10 =	sadd.s32 @!p0 $0x11B8D, s10;
	_ =	swait.eq @!p0 [sflag:s9], $0x1  }
0xb5: {  	s8 =	sor.u32 @!p0 s8, s10;
	[sflag:s9] =	ssyncadd.s32 @!p0 $0xFFFFFFFF  }
0xb6: {  	s25 =	simm.s32 $0x1B8E;
	s24 =	sld [smem:$0x3FFE];
	[sflag:s8] =	ssyncadd.remote.s32 @!p0 $0x1  }
0xb7: {  	s26 =	simm.s32 $execute0_lowered;
	[smem:$0x3FD2] =	sst s25  }
0xb8: {  	s9 =	sshll.u32 s26, $0x1;
	_ =	strace $0x80000049;
	[dreg:$0x1] =	wrdreg $0xFFFFFFFF  }
0xb9: {  	s28 =	simm.s32 $_size_execute0_lowered;
	s7 =	sadd.s32 s7, s9;
	[dreg:$0x0] =	wrdreg $0x0  }
0xba: {  	s9 =	sshll.u32 s28, $0x1;
	[dreg:$0x2] =	wrdreg s7  }
0xbb: {  	[dreg:$0x3] =	wrdreg s9  }
0xbc: {  	[dreg:$0x4] =	wrdreg $0xC0  }
0xbd: {  	_ =	task [dreg:s22], $0x5FFFF  }
0xbe: {  	[dreg:$0x1] =	wrdreg $0xFFFFFFFF  }
0xbf: {  	[dreg:$0x0] =	wrdreg $0x60  }
0xc0: {  	[dreg:$0x2] =	wrdreg s18  }
0xc1: {  	[dreg:$0x3] =	wrdreg s4  }
0xc2: {  	[dreg:$0x4] =	wrdreg s5  }
0xc3: {  	[dreg:$0x5] =	wrdreg s6  }
0xc4: {  	[dreg:$0x6] =	wrdreg s24  }
0xc5: {  	[dreg:$0x7] =	wrdreg $0xA  }
0xc6: {  	_ =	task.clear_ibuf [dreg:s22], $0x8FFFF;
	_ =	strace $0x90000049  }
0xc7: {  	s29 =	simm.s32 $0xA;
	_ =	strace $0x8000004B  }
0xc8: {  	_ =	swait.ge [sflag:s29], $0x1  }
0xc9: {  	[sflag:s29] =	ssyncadd.s32 $0xFFFFFFFF  }
0xca: {  	_ =	strace $0x9000004B  }
0xcb: {  	_ =	sfence  }
0xcc: {  	s30 =	sld [smem:$0x0];
	_ =	sdelay $0x2  }
0xcd: {  	s31 =	sshll.u32 s1, $0xD;
	s1 =	sshrl.u32 s1, $0x2  }
0xce: {  	s4 =	sand.u32 $0x4000, s31;
	s1 =	sadd.s32 s1, s30  }
0xcf: {  	s0 =	sor.u32 s4, s0;
	s1 =	sshll.u32 s1, $0x11  }
0xd0: {  	s0 =	sor.u32 s1, s0  }
0xd1: {  	s0 =	sadd.s32 $0x8F2B, s0  }
0xd2: {  	[sflag:s0] =	ssyncadd.remote.s32 $0x1  }
0xd3: {  	_ =	sfence.sel $0xFFFF  }
0xd4: {  	[dreg:$0x0] =	wrdreg $0xFFFFFFFF;
	(pc) =	sbr.abs _section_cstart, $3  }
0xd5: {  	[dreg:$0x1] =	wrdreg $0xFFFFFFFF  }
0xd6: {  	_ =	task.clear_ibuf [dreg:s22], $0x2FFFF;
	_ =	strace $0x9FFFFFFF  }
0xd7: {  	(tm) =	ssettm $0x7FFFFFFF  }
tec
execute0_lowered:
.L_overlay_start_1:
0x0: {  	(tag) =	ssettag $0x1  }
0x1: {  	s5 =	rddreg [dreg:$0x0];
	s2 =	srdreg.scid  }
0x2: {  	s6 =	rddreg [dreg:$0x1];
	s0 =	stileid.u32;
	s18 =	sand.u32 $0x1, s2  }
0x3: {  	s1 =	rddreg [dreg:$0x2];
	s30 =	sshll.u32 s0, $0x9;
	s4 =	sshll.u32 s18, $0x8  }
0x4: {  	s3 =	rddreg [dreg:$0x3];
	s17 =	sor.u32 s4, s30  }
0x5: {  	s16 =	rddreg [dreg:$0x4];
	s4 =	simm.s32 $0x0;
	s7 =	sshrl.u32 s17, $0x3  }
0x6: {  	[smem:$0x7FF] =	sst s4;
	s7 =	sor.u32 $0x400, s7  }
0x7: {  	s2 =	rddreg [dreg:$0x5];
	_ =	strace $0x8000004A;
	s5 =	sadd.s32 s5, s7  }
0x8: {  	[tilespmem:s4], [sflag:$0x3] =	stream.linear.gather [hbm4b:s5+s4], $0x100, $0x38;
	[tilespmem:$0x10200] =	vst v63  }
0x9: {  	s8 =	simm.s32 $0x100;
	s6 =	sadd.s32 s6, s7;
	s7 =	simm.s32 $0x3  }
0xa: {  	[tilespmem:s8], [sflag:$0x3] =	stream.linear.gather [hbm4b:s6+s4], $0x100, $0x38;
	[tilespmem:$0x10200] =	vst v63  }
0xb: {  	_ =	swait.ge [sflag:s7], $0x100  }
0xc: {  	[sflag:s7] =	ssyncset.done $0x0  }
0xd: {  	[sflag:s7] =	ssyncadd.s32 $0xFFFFFF00  }
0xe: {  	_ =	swait.ge [sflag:s7], $0x100  }
0xf: {  	[sflag:s7] =	ssyncset.done $0x0  }
0x10: {  	s9 =	simm.s32 $0x80;
	s10 =	simm.s32 $0x200;
	[sflag:s7] =	ssyncadd.s32 $0xFFFFFF00  }
0x11: {  	[tilespmem:s10], [sflag:$0x1] =	stream.indirect.gather [hbm4b:s1+s9], $0x80, s4, s9, $0xb8;
	[tilespmem:$0x10200] =	vst v63  }
0x12: {  	s11 =	simm.s32 $0x4200  }
0x13: {  	[tilespmem:s11], [sflag:$0x1] =	stream.indirect.gather [hbm4b:s1+s9], $0x80, s9, s9, $0xb8;
	[tilespmem:$0x10200] =	vst v63  }
0x14: {  	s12 =	simm.s32 $0x8200  }
0x15: {  	[tilespmem:s12], [sflag:$0x2] =	stream.indirect.gather [hbm4b:s3+s9], $0x80, s8, s9, $0xb8;
	[tilespmem:$0x10200] =	vst v63  }
0x16: {  	s13 =	simm.s32 $0x180;
	s14 =	simm.s32 $0xC200;
	s15 =	simm.s32 $0x1  }
0x17: {  	[tilespmem:s14], [sflag:$0x2] =	stream.indirect.gather [hbm4b:s3+s9], $0x80, s13, s9, $0xb8;
	[tilespmem:$0x10200] =	vst v63  }
0x18: {  	_ =	swait.ge [sflag:s15], $0x4000  }
0x19: {  	[sflag:s15] =	ssyncset.done $0x0  }
0x1a: {  	[sflag:s15] =	ssyncadd.s32 $0xFFFFC000  }
0x1b: {  	s17 =	sshll.u32 s17, $0x4;
	_ =	swait.ge [sflag:s15], $0x4000  }
0x1c: {  	s19 =	sadd.s32 s17, s16;
	[sflag:s15] =	ssyncset.done $0x0  }
0x1d: {  	s17 =	simm.s32 $0x2;
	s16 =	sadd.s32 $0x42200, s19;
	[sflag:s15] =	ssyncadd.s32 $0xFFFFC000  }
0x1e: {  	[hbm4b:s16+s4] =	stream.linear.scatter [tilespmem:s10], [sflag:$0x3], $0x8000, $0x38;
	[tilespmem:$0x10200] =	vst v63  }
0x1f: {  	_ =	swait.ge [sflag:s17], $0x4000  }
0x20: {  	s20 =	ssub.s32 $0x2, s18;
	[sflag:s17] =	ssyncset.done $0x0  }
0x21: {  	s31 =	sshrl.u32 s20, $0x1;
	[sflag:s17] =	ssyncadd.s32 $0xFFFFC000  }
0x22: {  	s18 =	sadd.s32 $0x62200, s19;
	s19 =	ssub.s32 s20, s31;
	_ =	swait.ge [sflag:s17], $0x4000  }
0x23: {  	s19 =	smax.u32 s19, $0x1;
	[sflag:s17] =	ssyncset.done $0x0  }
0x24: {  	p0 =	sne.s32 s19, $0x1;
	[sflag:s17] =	ssyncadd.s32 $0xFFFFC000  }
0x25: {  	[hbm4b:s18+s4] =	stream.linear.scatter [tilespmem:s12], [sflag:$0x3], $0x8000, $0x38;
	[tilespmem:$0x10200] =	vst v63  }
.Ltmp0:
0x26: {  	_ =	swait.ge [sflag:s7], $0x8000;
	(pc) =	sbr.rel @!p0 .LBB2_2-.Ltmp0, $4  }
0x27: {  	[sflag:s7] =	ssyncset.done $0x0  }
0x28: {  	[sflag:s7] =	ssyncadd.s32 $0xFFFF8000  }
0x29: {  	_ =	swait.ge [sflag:s7], $0x8000  }
0x2a: {  	s19 =	sadd.s32 $0xFFFFFFFF, s19;
	[sflag:s7] =	ssyncset.done $0x0  }
.LBB2_1:
0x2b: {  	p0 =	sne.s32 s19, $0x1;
	s19 =	sadd.s32 $0xFFFFFFFF, s19;
	[sflag:s7] =	ssyncadd.s32 $0xFFFF8000  }
0x2c: {  	[tilespmem:s4], [sflag:$0x3] =	stream.linear.gather [hbm4b:s5+s4], $0x100, $0x38;
	[tilespmem:$0x10200] =	vst v63  }
0x2d: {  	_ = 	snop  }
0x2e: {  	[tilespmem:s8], [sflag:$0x3] =	stream.linear.gather [hbm4b:s6+s4], $0x100, $0x38;
	[tilespmem:$0x10200] =	vst v63  }
0x2f: {  	_ =	swait.ge [sflag:s7], $0x100  }
0x30: {  	[sflag:s7] =	ssyncset.done $0x0  }
0x31: {  	[sflag:s7] =	ssyncadd.s32 $0xFFFFFF00  }
0x32: {  	_ =	swait.ge [sflag:s7], $0x100  }
0x33: {  	[sflag:s7] =	ssyncset.done $0x0  }
0x34: {  	[sflag:s7] =	ssyncadd.s32 $0xFFFFFF00  }
0x35: {  	[tilespmem:s10], [sflag:$0x1] =	stream.indirect.gather [hbm4b:s1+s9], $0x80, s4, s9, $0xb8;
	[tilespmem:$0x10200] =	vst v63  }
0x36: {  	_ = 	snop  }
0x37: {  	[tilespmem:s11], [sflag:$0x1] =	stream.indirect.gather [hbm4b:s1+s9], $0x80, s9, s9, $0xb8;
	[tilespmem:$0x10200] =	vst v63  }
0x38: {  	_ = 	snop  }
0x39: {  	[tilespmem:s12], [sflag:$0x2] =	stream.indirect.gather [hbm4b:s3+s9], $0x80, s8, s9, $0xb8;
	[tilespmem:$0x10200] =	vst v63  }
0x3a: {  	_ = 	snop  }
0x3b: {  	[tilespmem:s14], [sflag:$0x2] =	stream.indirect.gather [hbm4b:s3+s9], $0x80, s13, s9, $0xb8;
	[tilespmem:$0x10200] =	vst v63  }
0x3c: {  	_ =	swait.ge [sflag:s15], $0x4000  }
0x3d: {  	[sflag:s15] =	ssyncset.done $0x0  }
0x3e: {  	[sflag:s15] =	ssyncadd.s32 $0xFFFFC000  }
0x3f: {  	_ =	swait.ge [sflag:s15], $0x4000  }
0x40: {  	[sflag:s15] =	ssyncset.done $0x0  }
0x41: {  	[sflag:s15] =	ssyncadd.s32 $0xFFFFC000  }
0x42: {  	[hbm4b:s16+s4] =	stream.linear.scatter [tilespmem:s10], [sflag:$0x3], $0x8000, $0x38;
	[tilespmem:$0x10200] =	vst v63  }
0x43: {  	_ =	swait.ge [sflag:s17], $0x4000  }
0x44: {  	[sflag:s17] =	ssyncset.done $0x0  }
0x45: {  	[sflag:s17] =	ssyncadd.s32 $0xFFFFC000  }
0x46: {  	_ =	swait.ge [sflag:s17], $0x4000  }
0x47: {  	[sflag:s17] =	ssyncset.done $0x0  }
0x48: {  	[sflag:s17] =	ssyncadd.s32 $0xFFFFC000  }
0x49: {  	[hbm4b:s18+s4] =	stream.linear.scatter [tilespmem:s12], [sflag:$0x3], $0x8000, $0x38;
	[tilespmem:$0x10200] =	vst v63  }
.Ltmp1:
0x4a: {  	_ =	swait.ge [sflag:s7], $0x8000;
	(pc) =	sbr.rel @p0 .LBB2_1-.Ltmp1, $4  }
0x4b: {  	[sflag:s7] =	ssyncset.done $0x0  }
0x4c: {  	[sflag:s7] =	ssyncadd.s32 $0xFFFF8000  }
0x4d: {  	_ =	swait.ge [sflag:s7], $0x8000  }
0x4e: {  	[sflag:s7] =	ssyncset.done $0x0  }
.LBB2_2:
0x4f: {  	[sflag:s7] =	ssyncadd.s32 $0xFFFF8000  }
0x50: {  	_ =	sfence.sel $0x180000  }
0x51: {  	[bflag:$0x0] =	sbarrier.arrive $0xFFFF  }
0x52: {  	p0 =	sne.s32 s0, $0x0;
	_ =	strace $0x9000004A  }
0x53: {  	s0 =	sadd.s32 @!p0 $0x100000, s2;
	[bflag:$0x2] =	sbarrier.arrive $0xFFFF  }
0x54: {  	[sflag:s0] =	ssyncadd.tile.s32 @!p0 $0x1;
	_ =	shalt  }
.Lfunc_end2:
_tile_overlayer_lowered:
.L_overlay_start_2:
0x55: {  	(tag) =	ssettag $0x2  }
0x56: {  	s0 =	rddreg [dreg:$0x0];
	s2 =	stileid.u32  }
0x57: {  	s1 =	rddreg [dreg:$0x1];
	p0 =	sne.s32 s2, $0x0  }
0x58: {  	s3 =	rddreg [dreg:$0x2];
	[bflag:$0x3] =	sbarrier.arrive $0xFFFF;
	s2 =	simm.s32 @!p0 $0x1C04  }
0x59: {  	[timem:s3], [sflag:s2] =	dma.local @!p0 [hbm:s0], s1  }
0x5a: {  	s0 =	simm.s32 @!p0 $0x4  }
0x5b: {  	_ =	swait.ge @!p0 [sflag:s0], s1  }
0x5c: {  	s1 =	ssub.s32 @!p0 $0x0, s1;
	[sflag:s0] =	ssyncset.done @!p0 $0x0  }
0x5d: {  	[sflag:s0] =	ssyncadd.s32 @!p0 s1  }
0x5e: {  	[bflag:$0x3] =	sbarrier.arrive $0xFFFF  }
0x5f: {  	_ =	shalt  }

</sc_bundles>
